<compile_context>
chip_gen: v7x
topology: tpu7x:2x2x1
jax: 0.10.2.dev20260603
libtpu: 0.0.44.dev20260713+nightly
codegen_flags: <defaults>
</compile_context>

<pallas_src>
import functools

import jax
import jax.numpy as jnp
from jax import lax
from jax.experimental import pallas as pl
from jax.experimental.pallas import tpu as pltpu
from jax.experimental.pallas import tpu_sc as plsc

_N = 10000
_NPAD = 10240
_NW = 32
_K = 128
_R = 2
_RI = 4
_RPW = _NPAD // 16
_RB = 2560

_sc_mesh = plsc.VectorSubcoreMesh(core_axis_name="c", subcore_axis_name="s")


@functools.partial(jax.jit, static_argnums=(3, 4, 5))
def _segsum_sc(edges, table, zeros, srow, drow, F):
    n_e = edges.shape[1]
    n_chunks = n_e // _K
    ch_max = -(-n_chunks // _NW)
    loop_hi = -(-ch_max // _RI) * _RI

    @functools.partial(
        pl.kernel,
        out_type=jax.ShapeDtypeStruct((2, _NPAD, F), jnp.float32),
        mesh=_sc_mesh,
        compiler_params=pltpu.CompilerParams(use_tc_tiling_on_sc=(F == 128)),
        scratch_types=[
            pltpu.VMEM((_RI, _K), jnp.int32),
            pltpu.VMEM((_RI, _K), jnp.int32),
            pltpu.VMEM((_R, _K, F), jnp.float32),
            pltpu.VMEM_SHARED((_NPAD, F), jnp.float32),
            pltpu.SemaphoreType.DMA,
        ] + [pltpu.SemaphoreType.DMA] * (_R + _RI),
    )
    def k(e_hbm, tab_hbm, z_hbm, out_hbm, sidx, didx, rows, acc, zsem, *sems):
        gsem = sems[:_R]
        isem = sems[_R:]
        c = lax.axis_index("c")
        s = lax.axis_index("s")
        wid = s * 2 + c
        nch = (n_chunks - wid + _NW - 1) // _NW

        def issue_idx(jj, q):
            base = (jj * _NW + wid) * _K
            pltpu.async_copy(e_hbm.at[srow, pl.ds(base, _K)], sidx.at[q],
                             isem[q])
            pltpu.async_copy(e_hbm.at[drow, pl.ds(base, _K)], didx.at[q],
                             isem[q])

        def wait_idx(q):
            pltpu.make_async_copy(e_hbm.at[0, pl.ds(0, _K)], sidx.at[q],
                                  isem[q]).wait()
            pltpu.make_async_copy(e_hbm.at[0, pl.ds(0, _K)], didx.at[q],
                                  isem[q]).wait()

        def issue_gather(q, b):
            pltpu.async_copy(tab_hbm.at[sidx.at[q]], rows.at[b], gsem[b])

        for q in range(_RI):
            issue_idx(q, q)
        for b in range(_R):
            wait_idx(b)
            issue_gather(b, b)

        pltpu.async_copy(z_hbm.at[pl.ds(s * _RPW, _RPW)],
                         acc.at[pl.ds(s * _RPW, _RPW)], zsem)
        pltpu.make_async_copy(z_hbm.at[pl.ds(0, _RPW)],
                              acc.at[pl.ds(0, _RPW)], zsem).wait()
        plsc.subcore_barrier()

        @pl.loop(0, loop_hi, step=_RI)
        def _(j):
            for b in range(_RI):
                jj = j + b
                buf = b % _R

                @pl.when(jj < nch)
                def _():
                    pltpu.make_async_copy(
                        tab_hbm.at[sidx.at[b]], rows.at[buf], gsem[buf]).wait()
                    pltpu.sync_copy(rows.at[buf], acc.at[didx.at[b]], add=True)

                @pl.when(jj + _RI < nch)
                def _():
                    issue_idx(jj + _RI, b)

                @pl.when(jj + _R < nch)
                def _():
                    wait_idx((b + _R) % _RI)
                    issue_gather((b + _R) % _RI, buf)

        plsc.subcore_barrier()
        pltpu.sync_copy(acc.at[pl.ds(s * _RPW, _RPW)],
                        out_hbm.at[c].at[pl.ds(s * _RPW, _RPW)])

    return k(edges, table, zeros)


@functools.partial(jax.jit, static_argnums=(2,))
def _hist_sc(edges, zeros, drow):
    n_e = edges.shape[1]
    n_chunks = n_e // _K
    loop_hi = -(-(-(-n_chunks // _NW)) // _RI) * _RI

    @functools.partial(
        pl.kernel,
        out_type=jax.ShapeDtypeStruct((2, _NPAD, 16), jnp.float32),
        mesh=_sc_mesh,
        compiler_params=pltpu.CompilerParams(use_tc_tiling_on_sc=False),
        scratch_types=[
            pltpu.VMEM((_RI, _K), jnp.int32),
            pltpu.VMEM((_K, 16), jnp.float32),
            pltpu.VMEM_SHARED((_NPAD, 16), jnp.float32),
            pltpu.SemaphoreType.DMA,
        ] + [pltpu.SemaphoreType.DMA] * _RI,
    )
    def k(e_hbm, z_hbm, out_hbm, didx, ones, acc, zsem, *isem):
        c = lax.axis_index("c")
        s = lax.axis_index("s")
        wid = s * 2 + c
        nch = (n_chunks - wid + _NW - 1) // _NW

        def issue_idx(jj, q):
            base = (jj * _NW + wid) * _K
            pltpu.async_copy(e_hbm.at[drow, pl.ds(base, _K)], didx.at[q],
                             isem[q])

        def wait_idx(q):
            pltpu.make_async_copy(e_hbm.at[0, pl.ds(0, _K)], didx.at[q],
                                  isem[q]).wait()

        for q in range(_RI):
            issue_idx(q, q)

        one = jnp.ones((16,), jnp.float32)

        @pl.loop(0, _K)
        def _(i):
            ones[i, pl.ds(0, 16)] = one

        pltpu.async_copy(z_hbm.at[pl.ds(s * _RPW, _RPW)],
                         acc.at[pl.ds(s * _RPW, _RPW)], zsem)
        pltpu.make_async_copy(z_hbm.at[pl.ds(0, _RPW)],
                              acc.at[pl.ds(0, _RPW)], zsem).wait()
        plsc.subcore_barrier()

        @pl.loop(0, loop_hi, step=_RI)
        def _(j):
            for b in range(_RI):
                jj = j + b

                @pl.when(jj < nch)
                def _():
                    wait_idx(b)
                    pltpu.sync_copy(ones, acc.at[didx.at[b]], add=True)

                @pl.when(jj + _RI < nch)
                def _():
                    issue_idx(jj + _RI, b)

        plsc.subcore_barrier()
        pltpu.sync_copy(acc.at[pl.ds(s * _RPW, _RPW)],
                        out_hbm.at[c].at[pl.ds(s * _RPW, _RPW)])

    return k(edges, zeros)


def _dinv_col(h_ref):
    deg = h_ref[0, :, 0:1] + h_ref[1, :, 0:1] + 1.0
    return lax.rsqrt(deg)


def _tc1_body(s1_ref, h_ref, w1_ref, b1_ref, wg_ref, o_ref):
    x = (s1_ref[0] + s1_ref[1]) * (1.0 / _N)
    h = jnp.maximum(jnp.dot(x, w1_ref[...],
                            preferred_element_type=jnp.float32) + b1_ref[...], 0.0)
    o_ref[...] = _dinv_col(h_ref) * jnp.dot(h, wg_ref[...],
                                            preferred_element_type=jnp.float32)


def _tc2_body(s2_ref, u1_ref, h_ref, b_ref, o_ref):
    agg = s2_ref[0] + s2_ref[1] + u1_ref[...]
    o_ref[...] = jnp.maximum(_dinv_col(h_ref) * agg + b_ref[...], 0.0)


def _tc3_body(s3_ref, h_ref, w2_ref, b2_ref, wg_ref, o_ref):
    x = (s3_ref[0] + s3_ref[1]) * (1.0 / _N)
    h = jnp.dot(x, w2_ref[...], preferred_element_type=jnp.float32) + b2_ref[...]
    o_ref[...] = _dinv_col(h_ref) * jnp.dot(h, wg_ref[...],
                                            preferred_element_type=jnp.float32)


def _tc4_body(s4_ref, u2_ref, h_ref, b_ref, o_ref):
    agg = s4_ref[0] + s4_ref[1] + u2_ref[...]
    z = _dinv_col(h_ref) * agg + b_ref[...]
    m = jnp.max(z, axis=1, keepdims=True)
    e = jnp.exp(z - m)
    lse = m + jnp.log(jnp.sum(e, axis=1, keepdims=True))
    o_ref[...] = z - lse


def _part3(cols):
    return pl.BlockSpec((2, _RB, cols), lambda i: (0, i, 0))


def _part2(cols, rb=_RB):
    return pl.BlockSpec((rb, cols), lambda i: (i, 0))


def _full(*shape):
    return pl.BlockSpec(shape, lambda i: (0,) * len(shape))


def _tc_call(fn, in_specs, out_spec, out_shape, *args, grid=4):
    return pl.pallas_call(
        fn,
        grid=(grid,),
        in_specs=in_specs,
        out_specs=out_spec,
        out_shape=jax.ShapeDtypeStruct(out_shape, jnp.float32),
    )(*args)


def kernel(x_in, edge_index_in, ego_edge_index,
           W_ego1, b_ego1, W_gcn1, b_gcn1,
           W_ego2, b_ego2, W_gcn2, b_gcn2):
    ei = edge_index_in.astype(jnp.int32)
    ee = ego_edge_index.astype(jnp.int32)
    zeros = jnp.zeros((_NPAD, 128), jnp.float32)
    zeros16 = jnp.zeros((_NPAD, 16), jnp.float32)
    zeros64 = jnp.zeros((_NPAD, 64), jnp.float32)

    hist = _hist_sc(ei, zeros16, 1)
    S1 = _segsum_sc(ee, x_in, zeros, 1, 0, 128)

    u1 = _tc_call(
        _tc1_body,
        [_part3(128), _part3(16), _full(128, 128), _full(1, 128),
         _full(128, 128)],
        _part2(128), (_NPAD, 128),
        S1, hist, W_ego1, b_ego1.reshape(1, -1), W_gcn1)

    S2 = _segsum_sc(ei, u1, zeros, 0, 1, 128)
    x2 = _tc_call(
        _tc2_body,
        [_part3(128), _part2(128), _part3(16), _full(1, 128)],
        _part2(128), (_NPAD, 128),
        S2, u1, hist, b_gcn1.reshape(1, -1))

    S3 = _segsum_sc(ee, x2, zeros, 1, 0, 128)
    u2 = _tc_call(
        _tc3_body,
        [_part3(128), _part3(16), _full(128, 128), _full(1, 128),
         _full(128, 64)],
        _part2(64), (_NPAD, 64),
        S3, hist, W_ego2, b_ego2.reshape(1, -1), W_gcn2)

    S4 = _segsum_sc(ei, u2, zeros64, 0, 1, 64)
    out = _tc_call(
        _tc4_body,
        [pl.BlockSpec((2, 1000, 64), lambda i: (0, i, 0)),
         _part2(64, 1000), pl.BlockSpec((2, 1000, 16), lambda i: (0, i, 0)),
         _full(1, 64)],
        _part2(64, 1000), (_N, 64),
        S4, u2, hist, b_gcn2.reshape(1, -1), grid=10)
    return out

# --- scband reference (transcript-rebuilt; emitter-appended) ---
"""Pipeline reference for scband-ego-gnn-360777253399 (READ-ONLY COPY).

The authoritative reference and input builder live on the scoring server;
editing this copy changes nothing except your own understanding.
"""

import jax, jax.numpy as jnp
import numpy as np

N_NODES = 10000
N_EDGES = 320000
N_EGO_EDGES = 320000
F_IN = 128
HID = 128
N_OUT = 64


def do_conv(x, ego_edge_index, num_nodes):
    # torch_sparse.spmm(edge_index, ones, N, N, x): out[row] += x[col]
    row = ego_edge_index[0]
    col = ego_edge_index[1]
    out = jax.ops.segment_sum(x[col], row, num_segments=num_nodes)
    return out * (1.0 / num_nodes)


def gcn_conv(x, edge_index, W, b):
    n = x.shape[0]
    src = edge_index[0]
    dst = edge_index[1]
    loop = jnp.arange(n)
    src = jnp.concatenate([src, loop])
    dst = jnp.concatenate([dst, loop])
    deg = jax.ops.segment_sum(jnp.ones_like(dst, dtype=x.dtype), dst, num_segments=n)
    dinv = jnp.where(deg > 0, 1.0 / jnp.sqrt(deg), 0.0)
    norm = dinv[src] * dinv[dst]
    xw = x @ W
    msg = xw[src] * norm[:, None]
    out = jax.ops.segment_sum(msg, dst, num_segments=n)
    return out + b


def setup_inputs(seed: int = 0) -> dict:
    key = jax.random.key(seed)
    ks = jax.random.split(key, 8)
    x_in = jax.random.normal(ks[0], (N_NODES, F_IN), dtype=jnp.float32)
    edge_index_in = jax.random.randint(ks[1], (2, N_EDGES), 0, N_NODES, dtype=jnp.int64)
    ego_edge_index = jax.random.randint(ks[2], (2, N_EGO_EDGES), 0, N_NODES, dtype=jnp.int64)

    def lin(k, fi, fo):
        s = 1.0 / np.sqrt(fi)
        return jax.random.uniform(k, (fi, fo), minval=-s, maxval=s, dtype=jnp.float32)

    W_ego1 = lin(ks[3], F_IN, F_IN)
    b_ego1 = jnp.zeros((F_IN,), jnp.float32)
    W_gcn1 = lin(ks[4], F_IN, HID)
    b_gcn1 = jnp.zeros((HID,), jnp.float32)
    W_ego2 = lin(ks[5], HID, HID)
    b_ego2 = jnp.zeros((HID,), jnp.float32)
    W_gcn2 = lin(ks[6], HID, N_OUT)
    b_gcn2 = jnp.zeros((N_OUT,), jnp.float32)
    return {
        'x_in': x_in,
        'edge_index_in': edge_index_in,
        'ego_edge_index': ego_edge_index,
        'W_ego1': W_ego1, 'b_ego1': b_ego1,
        'W_gcn1': W_gcn1, 'b_gcn1': b_gcn1,
        'W_ego2': W_ego2, 'b_ego2': b_ego2,
        'W_gcn2': W_gcn2, 'b_gcn2': b_gcn2,
    }


def reference(x_in, edge_index_in, ego_edge_index, W_ego1, b_ego1, W_gcn1, b_gcn1, W_ego2, b_ego2, W_gcn2, b_gcn2):
    # layer_design = [['Ego','GCN',True,True], ['Ego','GCN',False,False]]
    # hidden_sizes = ['in', 128, 'out']
    n = x_in.shape[0]
    # layer 0
    x = do_conv(x_in, ego_edge_index, n)
    x = x @ W_ego1 + b_ego1
    x = jax.nn.relu(x)
    x = gcn_conv(x, edge_index_in, W_gcn1, b_gcn1)
    x = jax.nn.relu(x)
    # layer 1
    x = do_conv(x, ego_edge_index, n)
    x = x @ W_ego2 + b_ego2
    x = gcn_conv(x, edge_index_in, W_gcn2, b_gcn2)
    return jax.nn.log_softmax(x, axis=1)

if __name__ == "__main__":
    import jax
    _d = setup_inputs()
    print(jax.jit(kernel)(*tuple(_d.values())))

</pallas_src>

<mosaic_0001>
#map = affine_map<(d0, d1) -> (0, 0)>
#map1 = affine_map<(d0, d1) -> (0, 0, 0)>
module attributes {stable_mosaic.version = 14 : i64} {
  func.func @k(%arg0: i32, %arg1: i32, %arg2: memref<2x320000xi32, #tpu.memory_space<hbm>>, %arg3: memref<10240x16xf32, #tpu.memory_space<hbm>>, %arg4: memref<2x10240x16xf32, #tpu.memory_space<hbm>>, %arg5: memref<4x128xi32, #tpu.memory_space<vmem>>, %arg6: memref<128x16xf32, #tpu.memory_space<vmem>>, %arg7: memref<10240x16xf32, #tpu.memory_space<vmem_shared>>, %arg8: memref<!tpu.dma_semaphore, #tpu.memory_space<semaphore_mem>>, %arg9: memref<!tpu.dma_semaphore, #tpu.memory_space<semaphore_mem>>, %arg10: memref<!tpu.dma_semaphore, #tpu.memory_space<semaphore_mem>>, %arg11: memref<!tpu.dma_semaphore, #tpu.memory_space<semaphore_mem>>, %arg12: memref<!tpu.dma_semaphore, #tpu.memory_space<semaphore_mem>>) attributes {dimension_semantics = [#tpu.dimension_semantics<core_parallel>, #tpu.dimension_semantics<subcore_parallel>], iteration_bounds = array<i64: 2, 16>, scalar_prefetch = 0 : i64, scratch_operands = 8 : i64, tpu.core_type = #tpu.core_type<sc_vector_subcore>, window_params = [{transform_indices = #map}, {transform_indices = #map}, {transform_indices = #map1}]} {
    %mul3A = arith.constant 2 : i32
    %mul3A_0 = arith.muli %arg1, %mul3A : i32
    %add3A = arith.addi %mul3A_0, %arg0 : i32
    %sub3A = arith.constant 2500 : i32
    %sub3A_1 = arith.subi %sub3A, %add3A : i32
    %add3A_2 = arith.constant 32 : i32
    %add3A_3 = arith.addi %sub3A_1, %add3A_2 : i32
    %sub3A_4 = arith.constant 1 : i32
    %sub3A_5 = arith.subi %add3A_3, %sub3A_4 : i32
    %jit3A = arith.constant 32 : i32
    %div3A = arith.divsi %sub3A_5, %jit3A : i32
    %sign3A = arith.constant 0 : i32
    %sign3A_6 = arith.cmpi sgt, %sub3A_5, %sign3A : i32
    %sign3A_7 = arith.extui %sign3A_6 : i1 to i32
    %sign3A_8 = arith.constant 0 : i32
    %sign3A_9 = arith.cmpi slt, %sub3A_5, %sign3A_8 : i32
    %sign3A_10 = arith.extui %sign3A_9 : i1 to i32
    %sign3A_11 = arith.subi %sign3A_7, %sign3A_10 : i32
    %sign3A_12 = arith.constant 0 : i32
    %sign3A_13 = arith.cmpi sgt, %jit3A, %sign3A_12 : i32
    %sign3A_14 = arith.extui %sign3A_13 : i1 to i32
    %sign3A_15 = arith.constant 0 : i32
    %sign3A_16 = arith.cmpi slt, %jit3A, %sign3A_15 : i32
    %sign3A_17 = arith.extui %sign3A_16 : i1 to i32
    %sign3A_18 = arith.subi %sign3A_14, %sign3A_17 : i32
    %ne3A = arith.cmpi ne, %sign3A_11, %sign3A_18 : i32
    %rem3A = arith.remsi %sub3A_5, %jit3A : i32
    %ne3A_19 = arith.constant 0 : i32
    %ne3A_20 = arith.cmpi ne, %rem3A, %ne3A_19 : i32
    %and3A = arith.andi %ne3A, %ne3A_20 : i1
    %sub3A_21 = arith.constant 1 : i32
    %sub3A_22 = arith.subi %div3A, %sub3A_21 : i32
    %select_n3A = arith.select %and3A, %sub3A_22, %div3A : i32
    %add3A_23 = arith.constant 0 : i32
    %add3A_24 = arith.addi %add3A_23, %add3A : i32
    %mul3A_25 = arith.constant 128 : i32
    %mul3A_26 = arith.muli %add3A_24, %mul3A_25 : i32
    %dma_start3A = arith.constant 1 : i32
    %dma_start3A_27 = arith.constant 0 : i32
    %dma_start3A_28 = arith.constant 0 : i32
    %dma_start3A_29 = tpu.memref_slice %arg5[%dma_start3A_27, %dma_start3A_28] : memref<4x128xi32, #tpu.memory_space<vmem>> -> memref<1x128xi32, #tpu.memory_space<vmem>>
    %dma_start3A_30 = tpu.memref_squeeze %dma_start3A_29 : memref<1x128xi32, #tpu.memory_space<vmem>> -> memref<128xi32, #tpu.memory_space<vmem>>
    %dma_start3A_31 = tpu.memref_slice %arg2[%dma_start3A, %mul3A_26] : memref<2x320000xi32, #tpu.memory_space<hbm>> -> memref<1x128xi32, #tpu.memory_space<hbm>>
    %dma_start3A_32 = tpu.memref_squeeze %dma_start3A_31 : memref<1x128xi32, #tpu.memory_space<hbm>> -> memref<128xi32, #tpu.memory_space<hbm>>
    %dma_start3A_33 = arith.constant 0 : i32
    %dma_start3A_34 = tpu.memref_slice %arg5[%dma_start3A_27, %dma_start3A_33] : memref<4x128xi32, #tpu.memory_space<vmem>> -> memref<1x128xi32, #tpu.memory_space<vmem>>
    %dma_start3A_35 = tpu.memref_squeeze %dma_start3A_34 : memref<1x128xi32, #tpu.memory_space<vmem>> -> memref<128xi32, #tpu.memory_space<vmem>>
    %dma_start3A_36 = tpu.memref_slice %arg2[%dma_start3A, %mul3A_26] : memref<2x320000xi32, #tpu.memory_space<hbm>> -> memref<1x128xi32, #tpu.memory_space<hbm>>
    %dma_start3A_37 = tpu.memref_squeeze %dma_start3A_36 : memref<1x128xi32, #tpu.memory_space<hbm>> -> memref<128xi32, #tpu.memory_space<hbm>>
    tpu.enqueue_dma source(%dma_start3A_37 : memref<128xi32, #tpu.memory_space<hbm>>) target(%dma_start3A_35 : memref<128xi32, #tpu.memory_space<vmem>>) target_semaphore(%arg9 : memref<!tpu.dma_semaphore, #tpu.memory_space<semaphore_mem>>)
    %add3A_38 = arith.constant 32 : i32
    %add3A_39 = arith.addi %add3A_38, %add3A : i32
    %mul3A_40 = arith.constant 128 : i32
    %mul3A_41 = arith.muli %add3A_39, %mul3A_40 : i32
    %dma_start3A_42 = arith.constant 1 : i32
    %dma_start3A_43 = arith.constant 1 : i32
    %dma_start3A_44 = arith.constant 0 : i32
    %dma_start3A_45 = tpu.memref_slice %arg5[%dma_start3A_43, %dma_start3A_44] : memref<4x128xi32, #tpu.memory_space<vmem>> -> memref<1x128xi32, #tpu.memory_space<vmem>>
    %dma_start3A_46 = tpu.memref_squeeze %dma_start3A_45 : memref<1x128xi32, #tpu.memory_space<vmem>> -> memref<128xi32, #tpu.memory_space<vmem>>
    %dma_start3A_47 = tpu.memref_slice %arg2[%dma_start3A_42, %mul3A_41] : memref<2x320000xi32, #tpu.memory_space<hbm>> -> memref<1x128xi32, #tpu.memory_space<hbm>>
    %dma_start3A_48 = tpu.memref_squeeze %dma_start3A_47 : memref<1x128xi32, #tpu.memory_space<hbm>> -> memref<128xi32, #tpu.memory_space<hbm>>
    %dma_start3A_49 = arith.constant 0 : i32
    %dma_start3A_50 = tpu.memref_slice %arg5[%dma_start3A_43, %dma_start3A_49] : memref<4x128xi32, #tpu.memory_space<vmem>> -> memref<1x128xi32, #tpu.memory_space<vmem>>
    %dma_start3A_51 = tpu.memref_squeeze %dma_start3A_50 : memref<1x128xi32, #tpu.memory_space<vmem>> -> memref<128xi32, #tpu.memory_space<vmem>>
    %dma_start3A_52 = tpu.memref_slice %arg2[%dma_start3A_42, %mul3A_41] : memref<2x320000xi32, #tpu.memory_space<hbm>> -> memref<1x128xi32, #tpu.memory_space<hbm>>
    %dma_start3A_53 = tpu.memref_squeeze %dma_start3A_52 : memref<1x128xi32, #tpu.memory_space<hbm>> -> memref<128xi32, #tpu.memory_space<hbm>>
    tpu.enqueue_dma source(%dma_start3A_53 : memref<128xi32, #tpu.memory_space<hbm>>) target(%dma_start3A_51 : memref<128xi32, #tpu.memory_space<vmem>>) target_semaphore(%arg10 : memref<!tpu.dma_semaphore, #tpu.memory_space<semaphore_mem>>)
    %add3A_54 = arith.constant 64 : i32
    %add3A_55 = arith.addi %add3A_54, %add3A : i32
    %mul3A_56 = arith.constant 128 : i32
    %mul3A_57 = arith.muli %add3A_55, %mul3A_56 : i32
    %dma_start3A_58 = arith.constant 1 : i32
    %dma_start3A_59 = arith.constant 2 : i32
    %dma_start3A_60 = arith.constant 0 : i32
    %dma_start3A_61 = tpu.memref_slice %arg5[%dma_start3A_59, %dma_start3A_60] : memref<4x128xi32, #tpu.memory_space<vmem>> -> memref<1x128xi32, #tpu.memory_space<vmem>>
    %dma_start3A_62 = tpu.memref_squeeze %dma_start3A_61 : memref<1x128xi32, #tpu.memory_space<vmem>> -> memref<128xi32, #tpu.memory_space<vmem>>
    %dma_start3A_63 = tpu.memref_slice %arg2[%dma_start3A_58, %mul3A_57] : memref<2x320000xi32, #tpu.memory_space<hbm>> -> memref<1x128xi32, #tpu.memory_space<hbm>>
    %dma_start3A_64 = tpu.memref_squeeze %dma_start3A_63 : memref<1x128xi32, #tpu.memory_space<hbm>> -> memref<128xi32, #tpu.memory_space<hbm>>
    %dma_start3A_65 = arith.constant 0 : i32
    %dma_start3A_66 = tpu.memref_slice %arg5[%dma_start3A_59, %dma_start3A_65] : memref<4x128xi32, #tpu.memory_space<vmem>> -> memref<1x128xi32, #tpu.memory_space<vmem>>
    %dma_start3A_67 = tpu.memref_squeeze %dma_start3A_66 : memref<1x128xi32, #tpu.memory_space<vmem>> -> memref<128xi32, #tpu.memory_space<vmem>>
    %dma_start3A_68 = tpu.memref_slice %arg2[%dma_start3A_58, %mul3A_57] : memref<2x320000xi32, #tpu.memory_space<hbm>> -> memref<1x128xi32, #tpu.memory_space<hbm>>
    %dma_start3A_69 = tpu.memref_squeeze %dma_start3A_68 : memref<1x128xi32, #tpu.memory_space<hbm>> -> memref<128xi32, #tpu.memory_space<hbm>>
    tpu.enqueue_dma source(%dma_start3A_69 : memref<128xi32, #tpu.memory_space<hbm>>) target(%dma_start3A_67 : memref<128xi32, #tpu.memory_space<vmem>>) target_semaphore(%arg11 : memref<!tpu.dma_semaphore, #tpu.memory_space<semaphore_mem>>)
    %add3A_70 = arith.constant 96 : i32
    %add3A_71 = arith.addi %add3A_70, %add3A : i32
    %mul3A_72 = arith.constant 128 : i32
    %mul3A_73 = arith.muli %add3A_71, %mul3A_72 : i32
    %dma_start3A_74 = arith.constant 1 : i32
    %dma_start3A_75 = arith.constant 3 : i32
    %dma_start3A_76 = arith.constant 0 : i32
    %dma_start3A_77 = tpu.memref_slice %arg5[%dma_start3A_75, %dma_start3A_76] : memref<4x128xi32, #tpu.memory_space<vmem>> -> memref<1x128xi32, #tpu.memory_space<vmem>>
    %dma_start3A_78 = tpu.memref_squeeze %dma_start3A_77 : memref<1x128xi32, #tpu.memory_space<vmem>> -> memref<128xi32, #tpu.memory_space<vmem>>
    %dma_start3A_79 = tpu.memref_slice %arg2[%dma_start3A_74, %mul3A_73] : memref<2x320000xi32, #tpu.memory_space<hbm>> -> memref<1x128xi32, #tpu.memory_space<hbm>>
    %dma_start3A_80 = tpu.memref_squeeze %dma_start3A_79 : memref<1x128xi32, #tpu.memory_space<hbm>> -> memref<128xi32, #tpu.memory_space<hbm>>
    %dma_start3A_81 = arith.constant 0 : i32
    %dma_start3A_82 = tpu.memref_slice %arg5[%dma_start3A_75, %dma_start3A_81] : memref<4x128xi32, #tpu.memory_space<vmem>> -> memref<1x128xi32, #tpu.memory_space<vmem>>
    %dma_start3A_83 = tpu.memref_squeeze %dma_start3A_82 : memref<1x128xi32, #tpu.memory_space<vmem>> -> memref<128xi32, #tpu.memory_space<vmem>>
    %dma_start3A_84 = tpu.memref_slice %arg2[%dma_start3A_74, %mul3A_73] : memref<2x320000xi32, #tpu.memory_space<hbm>> -> memref<1x128xi32, #tpu.memory_space<hbm>>
    %dma_start3A_85 = tpu.memref_squeeze %dma_start3A_84 : memref<1x128xi32, #tpu.memory_space<hbm>> -> memref<128xi32, #tpu.memory_space<hbm>>
    tpu.enqueue_dma source(%dma_start3A_85 : memref<128xi32, #tpu.memory_space<hbm>>) target(%dma_start3A_83 : memref<128xi32, #tpu.memory_space<vmem>>) target_semaphore(%arg12 : memref<!tpu.dma_semaphore, #tpu.memory_space<semaphore_mem>>)
    %broadcast_in_dim3A = arith.constant 1.000000e+00 : f32
    %broadcast_in_dim3A_86 = vector.broadcast %broadcast_in_dim3A : f32 to vector<16xf32>
    %scan3A = arith.constant 0 : i32
    %scan3A_87 = arith.constant 128 : i32
    %scan3A_88 = arith.addi %scan3A, %scan3A_87 : i32
    %scan3A_89 = arith.constant 1 : i32
    scf.for %scan3A_114 = %scan3A to %scan3A_88 step %scan3A_89  : i32 {
      %mul3A_115 = arith.constant 1 : i32
      %mul3A_116 = arith.muli %scan3A_114, %mul3A_115 : i32
      %add3A_117 = arith.constant 0 : i32
      %add3A_118 = arith.addi %add3A_117, %mul3A_116 : i32
      %swap3A = arith.index_cast %add3A_118 : i32 to index
      %swap3A_119 = arith.constant 0 : index
      %swap3A_120 = tpu.vector_load %arg6[%swap3A, %swap3A_119] {strides = array<i32>} : memref<128x16xf32, #tpu.memory_space<vmem>>, vector<1x16xf32>,
      %swap3A_121 = vector.shape_cast %swap3A_120 : vector<1x16xf32> to vector<16xf32>
      %swap3A_122 = vector.shape_cast %broadcast_in_dim3A_86 : vector<16xf32> to vector<1x16xf32>
      tpu.vector_store %arg6[%swap3A, %swap3A_119], %swap3A_122 {strides = array<i32>} : memref<128x16xf32, #tpu.memory_space<vmem>>, vector<1x16xf32>,
    }
    %scan3A_90 = arith.constant 128 : i32
    %mul3A_91 = arith.constant 640 : i32
    %mul3A_92 = arith.muli %arg1, %mul3A_91 : i32
    %mul3A_93 = arith.constant 640 : i32
    %mul3A_94 = arith.muli %arg1, %mul3A_93 : i32
    %dma_start3A_95 = arith.constant 0 : i32
    %dma_start3A_96 = tpu.memref_slice %arg7[%mul3A_94, %dma_start3A_95] : memref<10240x16xf32, #tpu.memory_space<vmem_shared>> -> memref<640x16xf32, #tpu.memory_space<vmem_shared>>
    %dma_start3A_97 = arith.constant 0 : i32
    %dma_start3A_98 = tpu.memref_slice %arg3[%mul3A_92, %dma_start3A_97] : memref<10240x16xf32, #tpu.memory_space<hbm>> -> memref<640x16xf32, #tpu.memory_space<hbm>>
    tpu.enqueue_dma source(%dma_start3A_98 : memref<640x16xf32, #tpu.memory_space<hbm>>) target(%dma_start3A_96 : memref<640x16xf32, #tpu.memory_space<vmem_shared>>) target_semaphore(%arg8 : memref<!tpu.dma_semaphore, #tpu.memory_space<semaphore_mem>>)
    %dma_wait3A = arith.constant 0 : i32
    %dma_wait3A_99 = arith.constant 0 : i32
    %dma_wait3A_100 = tpu.memref_slice %arg7[%dma_wait3A, %dma_wait3A_99] : memref<10240x16xf32, #tpu.memory_space<vmem_shared>> -> memref<640x16xf32, #tpu.memory_space<vmem_shared>>
    %dma_wait3A_101 = arith.constant 0 : i32
    %dma_wait3A_102 = arith.constant 0 : i32
    %dma_wait3A_103 = tpu.memref_slice %arg3[%dma_wait3A_101, %dma_wait3A_102] : memref<10240x16xf32, #tpu.memory_space<hbm>> -> memref<640x16xf32, #tpu.memory_space<hbm>>
    tpu.wait_dma2 semaphore(%arg8 : memref<!tpu.dma_semaphore, #tpu.memory_space<semaphore_mem>>) src(%dma_wait3A_103 : memref<640x16xf32, #tpu.memory_space<hbm>>) dst(%dma_wait3A_100 : memref<640x16xf32, #tpu.memory_space<vmem_shared>>)
    %barrier3A = arith.constant 0 : index
    tpu.barrier barrier_id(%barrier3A)
    %scan3A_104 = arith.constant 0 : i32
    %scan3A_105 = arith.constant 20 : i32
    %scan3A_106 = arith.addi %scan3A_104, %scan3A_105 : i32
    %scan3A_107 = arith.constant 1 : i32
    scf.for %scan3A_114 = %scan3A_104 to %scan3A_106 step %scan3A_107  : i32 {
      %mul3A_115 = arith.constant 4 : i32
      %mul3A_116 = arith.muli %scan3A_114, %mul3A_115 : i32
      %add3A_117 = arith.constant 0 : i32
      %add3A_118 = arith.addi %add3A_117, %mul3A_116 : i32
      %add3A_119 = arith.constant 0 : i32
      %add3A_120 = arith.addi %add3A_118, %add3A_119 : i32
      %lt3A = arith.cmpi slt, %add3A_120, %select_n3A : i32
      %convert_element_type3A = arith.extui %lt3A : i1 to i32
      %cond3A = arith.constant 0 : i32
      %cond3A_121 = arith.cmpi ne, %convert_element_type3A, %cond3A : i32
      scf.if %cond3A_121 {
        %dma_wait3A_164 = arith.constant 0 : i32
        %dma_wait3A_165 = arith.constant 0 : i32
        %dma_wait3A_166 = arith.constant 0 : i32
        %dma_wait3A_167 = tpu.memref_slice %arg5[%dma_wait3A_165, %dma_wait3A_166] : memref<4x128xi32, #tpu.memory_space<vmem>> -> memref<1x128xi32, #tpu.memory_space<vmem>>
        %dma_wait3A_168 = tpu.memref_squeeze %dma_wait3A_167 : memref<1x128xi32, #tpu.memory_space<vmem>> -> memref<128xi32, #tpu.memory_space<vmem>>
        %dma_wait3A_169 = arith.constant 0 : i32
        %dma_wait3A_170 = tpu.memref_slice %arg2[%dma_wait3A_164, %dma_wait3A_169] : memref<2x320000xi32, #tpu.memory_space<hbm>> -> memref<1x128xi32, #tpu.memory_space<hbm>>
        %dma_wait3A_171 = tpu.memref_squeeze %dma_wait3A_170 : memref<1x128xi32, #tpu.memory_space<hbm>> -> memref<128xi32, #tpu.memory_space<hbm>>
        %dma_wait3A_172 = arith.constant 0 : i32
        %dma_wait3A_173 = tpu.memref_slice %arg5[%dma_wait3A_165, %dma_wait3A_172] : memref<4x128xi32, #tpu.memory_space<vmem>> -> memref<1x128xi32, #tpu.memory_space<vmem>>
        %dma_wait3A_174 = tpu.memref_squeeze %dma_wait3A_173 : memref<1x128xi32, #tpu.memory_space<vmem>> -> memref<128xi32, #tpu.memory_space<vmem>>
        %dma_wait3A_175 = arith.constant 0 : i32
        %dma_wait3A_176 = tpu.memref_slice %arg2[%dma_wait3A_164, %dma_wait3A_175] : memref<2x320000xi32, #tpu.memory_space<hbm>> -> memref<1x128xi32, #tpu.memory_space<hbm>>
        %dma_wait3A_177 = tpu.memref_squeeze %dma_wait3A_176 : memref<1x128xi32, #tpu.memory_space<hbm>> -> memref<128xi32, #tpu.memory_space<hbm>>
        tpu.wait_dma2 semaphore(%arg9 : memref<!tpu.dma_semaphore, #tpu.memory_space<semaphore_mem>>) src(%dma_wait3A_177 : memref<128xi32, #tpu.memory_space<hbm>>) dst(%dma_wait3A_174 : memref<128xi32, #tpu.memory_space<vmem>>)
        %run_scoped3A = arith.constant 0 : i32
        "tpu.region"() ({
          %run_scoped3A_178 = tpu.sem_alloc : memref<!tpu.dma_semaphore, #tpu.memory_space<semaphore_mem>>
          %dma_start3A_179 = arith.constant 0 : i32
          %dma_start3A_180 = tpu.memref_slice %arg5[%run_scoped3A, %dma_start3A_179] : memref<4x128xi32, #tpu.memory_space<vmem>> -> memref<1x128xi32, #tpu.memory_space<vmem>>
          %dma_start3A_181 = tpu.memref_squeeze %dma_start3A_180 : memref<1x128xi32, #tpu.memory_space<vmem>> -> memref<128xi32, #tpu.memory_space<vmem>>
          %dma_start3A_182 = arith.constant 0 : i32
          %dma_start3A_183 = arith.constant 0 : i32
          %dma_start3A_184 = tpu.memref_slice %arg7[%dma_start3A_182, %dma_start3A_183] : memref<10240x16xf32, #tpu.memory_space<vmem_shared>> -> memref<10240x16xf32, #tpu.memory_space<vmem_shared>>
          tpu.enqueue_indirect_dma source(%arg6 : memref<128x16xf32, #tpu.memory_space<vmem>>) target(%dma_start3A_184 : memref<10240x16xf32, #tpu.memory_space<vmem_shared>>) offsets(%dma_start3A_181 : memref<128xi32, #tpu.memory_space<vmem>>) semaphore(%run_scoped3A_178 : memref<!tpu.dma_semaphore, #tpu.memory_space<semaphore_mem>>) {add = true}
          %dma_wait3A_185 = arith.constant 0 : i32
          %dma_wait3A_186 = tpu.memref_slice %arg5[%run_scoped3A, %dma_wait3A_185] : memref<4x128xi32, #tpu.memory_space<vmem>> -> memref<1x128xi32, #tpu.memory_space<vmem>>
          %dma_wait3A_187 = tpu.memref_squeeze %dma_wait3A_186 : memref<1x128xi32, #tpu.memory_space<vmem>> -> memref<128xi32, #tpu.memory_space<vmem>>
          %dma_wait3A_188 = arith.constant 0 : i32
          %dma_wait3A_189 = arith.constant 0 : i32
          %dma_wait3A_190 = tpu.memref_slice %arg7[%dma_wait3A_188, %dma_wait3A_189] : memref<10240x16xf32, #tpu.memory_space<vmem_shared>> -> memref<10240x16xf32, #tpu.memory_space<vmem_shared>>
          tpu.wait_indirect_dma semaphore(%run_scoped3A_178 : memref<!tpu.dma_semaphore, #tpu.memory_space<semaphore_mem>>) src(%arg6 : memref<128x16xf32, #tpu.memory_space<vmem>>) dst(%dma_wait3A_190 : memref<10240x16xf32, #tpu.memory_space<vmem_shared>>)
          tpu.yield
        }) : () -> ()
      } else {
      }
      %add3A_122 = arith.constant 4 : i32
      %add3A_123 = arith.addi %add3A_120, %add3A_122 : i32
      %lt3A_124 = arith.cmpi slt, %add3A_123, %select_n3A : i32
      %convert_element_type3A_125 = arith.extui %lt3A_124 : i1 to i32
      %cond3A_126 = arith.constant 0 : i32
      %cond3A_127 = arith.cmpi ne, %convert_element_type3A_125, %cond3A_126 : i32
      scf.if %cond3A_127 {
        %add3A_164 = arith.constant 4 : i32
        %add3A_165 = arith.addi %add3A_120, %add3A_164 : i32
        %mul3A_166 = arith.constant 32 : i32
        %mul3A_167 = arith.muli %add3A_165, %mul3A_166 : i32
        %add3A_168 = arith.addi %mul3A_167, %add3A : i32
        %mul3A_169 = arith.constant 128 : i32
        %mul3A_170 = arith.muli %add3A_168, %mul3A_169 : i32
        %dma_start3A_171 = arith.constant 1 : i32
        %dma_start3A_172 = arith.constant 0 : i32
        %dma_start3A_173 = arith.constant 0 : i32
        %dma_start3A_174 = tpu.memref_slice %arg5[%dma_start3A_172, %dma_start3A_173] : memref<4x128xi32, #tpu.memory_space<vmem>> -> memref<1x128xi32, #tpu.memory_space<vmem>>
        %dma_start3A_175 = tpu.memref_squeeze %dma_start3A_174 : memref<1x128xi32, #tpu.memory_space<vmem>> -> memref<128xi32, #tpu.memory_space<vmem>>
        %dma_start3A_176 = tpu.memref_slice %arg2[%dma_start3A_171, %mul3A_170] : memref<2x320000xi32, #tpu.memory_space<hbm>> -> memref<1x128xi32, #tpu.memory_space<hbm>>
        %dma_start3A_177 = tpu.memref_squeeze %dma_start3A_176 : memref<1x128xi32, #tpu.memory_space<hbm>> -> memref<128xi32, #tpu.memory_space<hbm>>
        %dma_start3A_178 = arith.constant 0 : i32
        %dma_start3A_179 = tpu.memref_slice %arg5[%dma_start3A_172, %dma_start3A_178] : memref<4x128xi32, #tpu.memory_space<vmem>> -> memref<1x128xi32, #tpu.memory_space<vmem>>
        %dma_start3A_180 = tpu.memref_squeeze %dma_start3A_179 : memref<1x128xi32, #tpu.memory_space<vmem>> -> memref<128xi32, #tpu.memory_space<vmem>>
        %dma_start3A_181 = tpu.memref_slice %arg2[%dma_start3A_171, %mul3A_170] : memref<2x320000xi32, #tpu.memory_space<hbm>> -> memref<1x128xi32, #tpu.memory_space<hbm>>
        %dma_start3A_182 = tpu.memref_squeeze %dma_start3A_181 : memref<1x128xi32, #tpu.memory_space<hbm>> -> memref<128xi32, #tpu.memory_space<hbm>>
        tpu.enqueue_dma source(%dma_start3A_182 : memref<128xi32, #tpu.memory_space<hbm>>) target(%dma_start3A_180 : memref<128xi32, #tpu.memory_space<vmem>>) target_semaphore(%arg9 : memref<!tpu.dma_semaphore, #tpu.memory_space<semaphore_mem>>)
      } else {
      }
      %add3A_128 = arith.constant 1 : i32
      %add3A_129 = arith.addi %add3A_118, %add3A_128 : i32
      %lt3A_130 = arith.cmpi slt, %add3A_129, %select_n3A : i32
      %convert_element_type3A_131 = arith.extui %lt3A_130 : i1 to i32
      %cond3A_132 = arith.constant 0 : i32
      %cond3A_133 = arith.cmpi ne, %convert_element_type3A_131, %cond3A_132 : i32
      scf.if %cond3A_133 {
        %dma_wait3A_164 = arith.constant 0 : i32
        %dma_wait3A_165 = arith.constant 1 : i32
        %dma_wait3A_166 = arith.constant 0 : i32
        %dma_wait3A_167 = tpu.memref_slice %arg5[%dma_wait3A_165, %dma_wait3A_166] : memref<4x128xi32, #tpu.memory_space<vmem>> -> memref<1x128xi32, #tpu.memory_space<vmem>>
        %dma_wait3A_168 = tpu.memref_squeeze %dma_wait3A_167 : memref<1x128xi32, #tpu.memory_space<vmem>> -> memref<128xi32, #tpu.memory_space<vmem>>
        %dma_wait3A_169 = arith.constant 0 : i32
        %dma_wait3A_170 = tpu.memref_slice %arg2[%dma_wait3A_164, %dma_wait3A_169] : memref<2x320000xi32, #tpu.memory_space<hbm>> -> memref<1x128xi32, #tpu.memory_space<hbm>>
        %dma_wait3A_171 = tpu.memref_squeeze %dma_wait3A_170 : memref<1x128xi32, #tpu.memory_space<hbm>> -> memref<128xi32, #tpu.memory_space<hbm>>
        %dma_wait3A_172 = arith.constant 0 : i32
        %dma_wait3A_173 = tpu.memref_slice %arg5[%dma_wait3A_165, %dma_wait3A_172] : memref<4x128xi32, #tpu.memory_space<vmem>> -> memref<1x128xi32, #tpu.memory_space<vmem>>
        %dma_wait3A_174 = tpu.memref_squeeze %dma_wait3A_173 : memref<1x128xi32, #tpu.memory_space<vmem>> -> memref<128xi32, #tpu.memory_space<vmem>>
        %dma_wait3A_175 = arith.constant 0 : i32
        %dma_wait3A_176 = tpu.memref_slice %arg2[%dma_wait3A_164, %dma_wait3A_175] : memref<2x320000xi32, #tpu.memory_space<hbm>> -> memref<1x128xi32, #tpu.memory_space<hbm>>
        %dma_wait3A_177 = tpu.memref_squeeze %dma_wait3A_176 : memref<1x128xi32, #tpu.memory_space<hbm>> -> memref<128xi32, #tpu.memory_space<hbm>>
        tpu.wait_dma2 semaphore(%arg10 : memref<!tpu.dma_semaphore, #tpu.memory_space<semaphore_mem>>) src(%dma_wait3A_177 : memref<128xi32, #tpu.memory_space<hbm>>) dst(%dma_wait3A_174 : memref<128xi32, #tpu.memory_space<vmem>>)
        %run_scoped3A = arith.constant 1 : i32
        "tpu.region"() ({
          %run_scoped3A_178 = tpu.sem_alloc : memref<!tpu.dma_semaphore, #tpu.memory_space<semaphore_mem>>
          %dma_start3A_179 = arith.constant 0 : i32
          %dma_start3A_180 = tpu.memref_slice %arg5[%run_scoped3A, %dma_start3A_179] : memref<4x128xi32, #tpu.memory_space<vmem>> -> memref<1x128xi32, #tpu.memory_space<vmem>>
          %dma_start3A_181 = tpu.memref_squeeze %dma_start3A_180 : memref<1x128xi32, #tpu.memory_space<vmem>> -> memref<128xi32, #tpu.memory_space<vmem>>
          %dma_start3A_182 = arith.constant 0 : i32
          %dma_start3A_183 = arith.constant 0 : i32
          %dma_start3A_184 = tpu.memref_slice %arg7[%dma_start3A_182, %dma_start3A_183] : memref<10240x16xf32, #tpu.memory_space<vmem_shared>> -> memref<10240x16xf32, #tpu.memory_space<vmem_shared>>
          tpu.enqueue_indirect_dma source(%arg6 : memref<128x16xf32, #tpu.memory_space<vmem>>) target(%dma_start3A_184 : memref<10240x16xf32, #tpu.memory_space<vmem_shared>>) offsets(%dma_start3A_181 : memref<128xi32, #tpu.memory_space<vmem>>) semaphore(%run_scoped3A_178 : memref<!tpu.dma_semaphore, #tpu.memory_space<semaphore_mem>>) {add = true}
          %dma_wait3A_185 = arith.constant 0 : i32
          %dma_wait3A_186 = tpu.memref_slice %arg5[%run_scoped3A, %dma_wait3A_185] : memref<4x128xi32, #tpu.memory_space<vmem>> -> memref<1x128xi32, #tpu.memory_space<vmem>>
          %dma_wait3A_187 = tpu.memref_squeeze %dma_wait3A_186 : memref<1x128xi32, #tpu.memory_space<vmem>> -> memref<128xi32, #tpu.memory_space<vmem>>
          %dma_wait3A_188 = arith.constant 0 : i32
          %dma_wait3A_189 = arith.constant 0 : i32
          %dma_wait3A_190 = tpu.memref_slice %arg7[%dma_wait3A_188, %dma_wait3A_189] : memref<10240x16xf32, #tpu.memory_space<vmem_shared>> -> memref<10240x16xf32, #tpu.memory_space<vmem_shared>>
          tpu.wait_indirect_dma semaphore(%run_scoped3A_178 : memref<!tpu.dma_semaphore, #tpu.memory_space<semaphore_mem>>) src(%arg6 : memref<128x16xf32, #tpu.memory_space<vmem>>) dst(%dma_wait3A_190 : memref<10240x16xf32, #tpu.memory_space<vmem_shared>>)
          tpu.yield
        }) : () -> ()
      } else {
      }
      %add3A_134 = arith.constant 4 : i32
      %add3A_135 = arith.addi %add3A_129, %add3A_134 : i32
      %lt3A_136 = arith.cmpi slt, %add3A_135, %select_n3A : i32
      %convert_element_type3A_137 = arith.extui %lt3A_136 : i1 to i32
      %cond3A_138 = arith.constant 0 : i32
      %cond3A_139 = arith.cmpi ne, %convert_element_type3A_137, %cond3A_138 : i32
      scf.if %cond3A_139 {
        %add3A_164 = arith.constant 4 : i32
        %add3A_165 = arith.addi %add3A_129, %add3A_164 : i32
        %mul3A_166 = arith.constant 32 : i32
        %mul3A_167 = arith.muli %add3A_165, %mul3A_166 : i32
        %add3A_168 = arith.addi %mul3A_167, %add3A : i32
        %mul3A_169 = arith.constant 128 : i32
        %mul3A_170 = arith.muli %add3A_168, %mul3A_169 : i32
        %dma_start3A_171 = arith.constant 1 : i32
        %dma_start3A_172 = arith.constant 1 : i32
        %dma_start3A_173 = arith.constant 0 : i32
        %dma_start3A_174 = tpu.memref_slice %arg5[%dma_start3A_172, %dma_start3A_173] : memref<4x128xi32, #tpu.memory_space<vmem>> -> memref<1x128xi32, #tpu.memory_space<vmem>>
        %dma_start3A_175 = tpu.memref_squeeze %dma_start3A_174 : memref<1x128xi32, #tpu.memory_space<vmem>> -> memref<128xi32, #tpu.memory_space<vmem>>
        %dma_start3A_176 = tpu.memref_slice %arg2[%dma_start3A_171, %mul3A_170] : memref<2x320000xi32, #tpu.memory_space<hbm>> -> memref<1x128xi32, #tpu.memory_space<hbm>>
        %dma_start3A_177 = tpu.memref_squeeze %dma_start3A_176 : memref<1x128xi32, #tpu.memory_space<hbm>> -> memref<128xi32, #tpu.memory_space<hbm>>
        %dma_start3A_178 = arith.constant 0 : i32
        %dma_start3A_179 = tpu.memref_slice %arg5[%dma_start3A_172, %dma_start3A_178] : memref<4x128xi32, #tpu.memory_space<vmem>> -> memref<1x128xi32, #tpu.memory_space<vmem>>
        %dma_start3A_180 = tpu.memref_squeeze %dma_start3A_179 : memref<1x128xi32, #tpu.memory_space<vmem>> -> memref<128xi32, #tpu.memory_space<vmem>>
        %dma_start3A_181 = tpu.memref_slice %arg2[%dma_start3A_171, %mul3A_170] : memref<2x320000xi32, #tpu.memory_space<hbm>> -> memref<1x128xi32, #tpu.memory_space<hbm>>
        %dma_start3A_182 = tpu.memref_squeeze %dma_start3A_181 : memref<1x128xi32, #tpu.memory_space<hbm>> -> memref<128xi32, #tpu.memory_space<hbm>>
        tpu.enqueue_dma source(%dma_start3A_182 : memref<128xi32, #tpu.memory_space<hbm>>) target(%dma_start3A_180 : memref<128xi32, #tpu.memory_space<vmem>>) target_semaphore(%arg10 : memref<!tpu.dma_semaphore, #tpu.memory_space<semaphore_mem>>)
      } else {
      }
      %add3A_140 = arith.constant 2 : i32
      %add3A_141 = arith.addi %add3A_118, %add3A_140 : i32
      %lt3A_142 = arith.cmpi slt, %add3A_141, %select_n3A : i32
      %convert_element_type3A_143 = arith.extui %lt3A_142 : i1 to i32
      %cond3A_144 = arith.constant 0 : i32
      %cond3A_145 = arith.cmpi ne, %convert_element_type3A_143, %cond3A_144 : i32
      scf.if %cond3A_145 {
        %dma_wait3A_164 = arith.constant 0 : i32
        %dma_wait3A_165 = arith.constant 2 : i32
        %dma_wait3A_166 = arith.constant 0 : i32
        %dma_wait3A_167 = tpu.memref_slice %arg5[%dma_wait3A_165, %dma_wait3A_166] : memref<4x128xi32, #tpu.memory_space<vmem>> -> memref<1x128xi32, #tpu.memory_space<vmem>>
        %dma_wait3A_168 = tpu.memref_squeeze %dma_wait3A_167 : memref<1x128xi32, #tpu.memory_space<vmem>> -> memref<128xi32, #tpu.memory_space<vmem>>
        %dma_wait3A_169 = arith.constant 0 : i32
        %dma_wait3A_170 = tpu.memref_slice %arg2[%dma_wait3A_164, %dma_wait3A_169] : memref<2x320000xi32, #tpu.memory_space<hbm>> -> memref<1x128xi32, #tpu.memory_space<hbm>>
        %dma_wait3A_171 = tpu.memref_squeeze %dma_wait3A_170 : memref<1x128xi32, #tpu.memory_space<hbm>> -> memref<128xi32, #tpu.memory_space<hbm>>
        %dma_wait3A_172 = arith.constant 0 : i32
        %dma_wait3A_173 = tpu.memref_slice %arg5[%dma_wait3A_165, %dma_wait3A_172] : memref<4x128xi32, #tpu.memory_space<vmem>> -> memref<1x128xi32, #tpu.memory_space<vmem>>
        %dma_wait3A_174 = tpu.memref_squeeze %dma_wait3A_173 : memref<1x128xi32, #tpu.memory_space<vmem>> -> memref<128xi32, #tpu.memory_space<vmem>>
        %dma_wait3A_175 = arith.constant 0 : i32
        %dma_wait3A_176 = tpu.memref_slice %arg2[%dma_wait3A_164, %dma_wait3A_175] : memref<2x320000xi32, #tpu.memory_space<hbm>> -> memref<1x128xi32, #tpu.memory_space<hbm>>
        %dma_wait3A_177 = tpu.memref_squeeze %dma_wait3A_176 : memref<1x128xi32, #tpu.memory_space<hbm>> -> memref<128xi32, #tpu.memory_space<hbm>>
        tpu.wait_dma2 semaphore(%arg11 : memref<!tpu.dma_semaphore, #tpu.memory_space<semaphore_mem>>) src(%dma_wait3A_177 : memref<128xi32, #tpu.memory_space<hbm>>) dst(%dma_wait3A_174 : memref<128xi32, #tpu.memory_space<vmem>>)
        %run_scoped3A = arith.constant 2 : i32
        "tpu.region"() ({
          %run_scoped3A_178 = tpu.sem_alloc : memref<!tpu.dma_semaphore, #tpu.memory_space<semaphore_mem>>
          %dma_start3A_179 = arith.constant 0 : i32
          %dma_start3A_180 = tpu.memref_slice %arg5[%run_scoped3A, %dma_start3A_179] : memref<4x128xi32, #tpu.memory_space<vmem>> -> memref<1x128xi32, #tpu.memory_space<vmem>>
          %dma_start3A_181 = tpu.memref_squeeze %dma_start3A_180 : memref<1x128xi32, #tpu.memory_space<vmem>> -> memref<128xi32, #tpu.memory_space<vmem>>
          %dma_start3A_182 = arith.constant 0 : i32
          %dma_start3A_183 = arith.constant 0 : i32
          %dma_start3A_184 = tpu.memref_slice %arg7[%dma_start3A_182, %dma_start3A_183] : memref<10240x16xf32, #tpu.memory_space<vmem_shared>> -> memref<10240x16xf32, #tpu.memory_space<vmem_shared>>
          tpu.enqueue_indirect_dma source(%arg6 : memref<128x16xf32, #tpu.memory_space<vmem>>) target(%dma_start3A_184 : memref<10240x16xf32, #tpu.memory_space<vmem_shared>>) offsets(%dma_start3A_181 : memref<128xi32, #tpu.memory_space<vmem>>) semaphore(%run_scoped3A_178 : memref<!tpu.dma_semaphore, #tpu.memory_space<semaphore_mem>>) {add = true}
          %dma_wait3A_185 = arith.constant 0 : i32
          %dma_wait3A_186 = tpu.memref_slice %arg5[%run_scoped3A, %dma_wait3A_185] : memref<4x128xi32, #tpu.memory_space<vmem>> -> memref<1x128xi32, #tpu.memory_space<vmem>>
          %dma_wait3A_187 = tpu.memref_squeeze %dma_wait3A_186 : memref<1x128xi32, #tpu.memory_space<vmem>> -> memref<128xi32, #tpu.memory_space<vmem>>
          %dma_wait3A_188 = arith.constant 0 : i32
          %dma_wait3A_189 = arith.constant 0 : i32
          %dma_wait3A_190 = tpu.memref_slice %arg7[%dma_wait3A_188, %dma_wait3A_189] : memref<10240x16xf32, #tpu.memory_space<vmem_shared>> -> memref<10240x16xf32, #tpu.memory_space<vmem_shared>>
          tpu.wait_indirect_dma semaphore(%run_scoped3A_178 : memref<!tpu.dma_semaphore, #tpu.memory_space<semaphore_mem>>) src(%arg6 : memref<128x16xf32, #tpu.memory_space<vmem>>) dst(%dma_wait3A_190 : memref<10240x16xf32, #tpu.memory_space<vmem_shared>>)
          tpu.yield
        }) : () -> ()
      } else {
      }
      %add3A_146 = arith.constant 4 : i32
      %add3A_147 = arith.addi %add3A_141, %add3A_146 : i32
      %lt3A_148 = arith.cmpi slt, %add3A_147, %select_n3A : i32
      %convert_element_type3A_149 = arith.extui %lt3A_148 : i1 to i32
      %cond3A_150 = arith.constant 0 : i32
      %cond3A_151 = arith.cmpi ne, %convert_element_type3A_149, %cond3A_150 : i32
      scf.if %cond3A_151 {
        %add3A_164 = arith.constant 4 : i32
        %add3A_165 = arith.addi %add3A_141, %add3A_164 : i32
        %mul3A_166 = arith.constant 32 : i32
        %mul3A_167 = arith.muli %add3A_165, %mul3A_166 : i32
        %add3A_168 = arith.addi %mul3A_167, %add3A : i32
        %mul3A_169 = arith.constant 128 : i32
        %mul3A_170 = arith.muli %add3A_168, %mul3A_169 : i32
        %dma_start3A_171 = arith.constant 1 : i32
        %dma_start3A_172 = arith.constant 2 : i32
        %dma_start3A_173 = arith.constant 0 : i32
        %dma_start3A_174 = tpu.memref_slice %arg5[%dma_start3A_172, %dma_start3A_173] : memref<4x128xi32, #tpu.memory_space<vmem>> -> memref<1x128xi32, #tpu.memory_space<vmem>>
        %dma_start3A_175 = tpu.memref_squeeze %dma_start3A_174 : memref<1x128xi32, #tpu.memory_space<vmem>> -> memref<128xi32, #tpu.memory_space<vmem>>
        %dma_start3A_176 = tpu.memref_slice %arg2[%dma_start3A_171, %mul3A_170] : memref<2x320000xi32, #tpu.memory_space<hbm>> -> memref<1x128xi32, #tpu.memory_space<hbm>>
        %dma_start3A_177 = tpu.memref_squeeze %dma_start3A_176 : memref<1x128xi32, #tpu.memory_space<hbm>> -> memref<128xi32, #tpu.memory_space<hbm>>
        %dma_start3A_178 = arith.constant 0 : i32
        %dma_start3A_179 = tpu.memref_slice %arg5[%dma_start3A_172, %dma_start3A_178] : memref<4x128xi32, #tpu.memory_space<vmem>> -> memref<1x128xi32, #tpu.memory_space<vmem>>
        %dma_start3A_180 = tpu.memref_squeeze %dma_start3A_179 : memref<1x128xi32, #tpu.memory_space<vmem>> -> memref<128xi32, #tpu.memory_space<vmem>>
        %dma_start3A_181 = tpu.memref_slice %arg2[%dma_start3A_171, %mul3A_170] : memref<2x320000xi32, #tpu.memory_space<hbm>> -> memref<1x128xi32, #tpu.memory_space<hbm>>
        %dma_start3A_182 = tpu.memref_squeeze %dma_start3A_181 : memref<1x128xi32, #tpu.memory_space<hbm>> -> memref<128xi32, #tpu.memory_space<hbm>>
        tpu.enqueue_dma source(%dma_start3A_182 : memref<128xi32, #tpu.memory_space<hbm>>) target(%dma_start3A_180 : memref<128xi32, #tpu.memory_space<vmem>>) target_semaphore(%arg11 : memref<!tpu.dma_semaphore, #tpu.memory_space<semaphore_mem>>)
      } else {
      }
      %add3A_152 = arith.constant 3 : i32
      %add3A_153 = arith.addi %add3A_118, %add3A_152 : i32
      %lt3A_154 = arith.cmpi slt, %add3A_153, %select_n3A : i32
      %convert_element_type3A_155 = arith.extui %lt3A_154 : i1 to i32
      %cond3A_156 = arith.constant 0 : i32
      %cond3A_157 = arith.cmpi ne, %convert_element_type3A_155, %cond3A_156 : i32
      scf.if %cond3A_157 {
        %dma_wait3A_164 = arith.constant 0 : i32
        %dma_wait3A_165 = arith.constant 3 : i32
        %dma_wait3A_166 = arith.constant 0 : i32
        %dma_wait3A_167 = tpu.memref_slice %arg5[%dma_wait3A_165, %dma_wait3A_166] : memref<4x128xi32, #tpu.memory_space<vmem>> -> memref<1x128xi32, #tpu.memory_space<vmem>>
        %dma_wait3A_168 = tpu.memref_squeeze %dma_wait3A_167 : memref<1x128xi32, #tpu.memory_space<vmem>> -> memref<128xi32, #tpu.memory_space<vmem>>
        %dma_wait3A_169 = arith.constant 0 : i32
        %dma_wait3A_170 = tpu.memref_slice %arg2[%dma_wait3A_164, %dma_wait3A_169] : memref<2x320000xi32, #tpu.memory_space<hbm>> -> memref<1x128xi32, #tpu.memory_space<hbm>>
        %dma_wait3A_171 = tpu.memref_squeeze %dma_wait3A_170 : memref<1x128xi32, #tpu.memory_space<hbm>> -> memref<128xi32, #tpu.memory_space<hbm>>
        %dma_wait3A_172 = arith.constant 0 : i32
        %dma_wait3A_173 = tpu.memref_slice %arg5[%dma_wait3A_165, %dma_wait3A_172] : memref<4x128xi32, #tpu.memory_space<vmem>> -> memref<1x128xi32, #tpu.memory_space<vmem>>
        %dma_wait3A_174 = tpu.memref_squeeze %dma_wait3A_173 : memref<1x128xi32, #tpu.memory_space<vmem>> -> memref<128xi32, #tpu.memory_space<vmem>>
        %dma_wait3A_175 = arith.constant 0 : i32
        %dma_wait3A_176 = tpu.memref_slice %arg2[%dma_wait3A_164, %dma_wait3A_175] : memref<2x320000xi32, #tpu.memory_space<hbm>> -> memref<1x128xi32, #tpu.memory_space<hbm>>
        %dma_wait3A_177 = tpu.memref_squeeze %dma_wait3A_176 : memref<1x128xi32, #tpu.memory_space<hbm>> -> memref<128xi32, #tpu.memory_space<hbm>>
        tpu.wait_dma2 semaphore(%arg12 : memref<!tpu.dma_semaphore, #tpu.memory_space<semaphore_mem>>) src(%dma_wait3A_177 : memref<128xi32, #tpu.memory_space<hbm>>) dst(%dma_wait3A_174 : memref<128xi32, #tpu.memory_space<vmem>>)
        %run_scoped3A = arith.constant 3 : i32
        "tpu.region"() ({
          %run_scoped3A_178 = tpu.sem_alloc : memref<!tpu.dma_semaphore, #tpu.memory_space<semaphore_mem>>
          %dma_start3A_179 = arith.constant 0 : i32
          %dma_start3A_180 = tpu.memref_slice %arg5[%run_scoped3A, %dma_start3A_179] : memref<4x128xi32, #tpu.memory_space<vmem>> -> memref<1x128xi32, #tpu.memory_space<vmem>>
          %dma_start3A_181 = tpu.memref_squeeze %dma_start3A_180 : memref<1x128xi32, #tpu.memory_space<vmem>> -> memref<128xi32, #tpu.memory_space<vmem>>
          %dma_start3A_182 = arith.constant 0 : i32
          %dma_start3A_183 = arith.constant 0 : i32
          %dma_start3A_184 = tpu.memref_slice %arg7[%dma_start3A_182, %dma_start3A_183] : memref<10240x16xf32, #tpu.memory_space<vmem_shared>> -> memref<10240x16xf32, #tpu.memory_space<vmem_shared>>
          tpu.enqueue_indirect_dma source(%arg6 : memref<128x16xf32, #tpu.memory_space<vmem>>) target(%dma_start3A_184 : memref<10240x16xf32, #tpu.memory_space<vmem_shared>>) offsets(%dma_start3A_181 : memref<128xi32, #tpu.memory_space<vmem>>) semaphore(%run_scoped3A_178 : memref<!tpu.dma_semaphore, #tpu.memory_space<semaphore_mem>>) {add = true}
          %dma_wait3A_185 = arith.constant 0 : i32
          %dma_wait3A_186 = tpu.memref_slice %arg5[%run_scoped3A, %dma_wait3A_185] : memref<4x128xi32, #tpu.memory_space<vmem>> -> memref<1x128xi32, #tpu.memory_space<vmem>>
          %dma_wait3A_187 = tpu.memref_squeeze %dma_wait3A_186 : memref<1x128xi32, #tpu.memory_space<vmem>> -> memref<128xi32, #tpu.memory_space<vmem>>
          %dma_wait3A_188 = arith.constant 0 : i32
          %dma_wait3A_189 = arith.constant 0 : i32
          %dma_wait3A_190 = tpu.memref_slice %arg7[%dma_wait3A_188, %dma_wait3A_189] : memref<10240x16xf32, #tpu.memory_space<vmem_shared>> -> memref<10240x16xf32, #tpu.memory_space<vmem_shared>>
          tpu.wait_indirect_dma semaphore(%run_scoped3A_178 : memref<!tpu.dma_semaphore, #tpu.memory_space<semaphore_mem>>) src(%arg6 : memref<128x16xf32, #tpu.memory_space<vmem>>) dst(%dma_wait3A_190 : memref<10240x16xf32, #tpu.memory_space<vmem_shared>>)
          tpu.yield
        }) : () -> ()
      } else {
      }
      %add3A_158 = arith.constant 4 : i32
      %add3A_159 = arith.addi %add3A_153, %add3A_158 : i32
      %lt3A_160 = arith.cmpi slt, %add3A_159, %select_n3A : i32
      %convert_element_type3A_161 = arith.extui %lt3A_160 : i1 to i32
      %cond3A_162 = arith.constant 0 : i32
      %cond3A_163 = arith.cmpi ne, %convert_element_type3A_161, %cond3A_162 : i32
      scf.if %cond3A_163 {
        %add3A_164 = arith.constant 4 : i32
        %add3A_165 = arith.addi %add3A_153, %add3A_164 : i32
        %mul3A_166 = arith.constant 32 : i32
        %mul3A_167 = arith.muli %add3A_165, %mul3A_166 : i32
        %add3A_168 = arith.addi %mul3A_167, %add3A : i32
        %mul3A_169 = arith.constant 128 : i32
        %mul3A_170 = arith.muli %add3A_168, %mul3A_169 : i32
        %dma_start3A_171 = arith.constant 1 : i32
        %dma_start3A_172 = arith.constant 3 : i32
        %dma_start3A_173 = arith.constant 0 : i32
        %dma_start3A_174 = tpu.memref_slice %arg5[%dma_start3A_172, %dma_start3A_173] : memref<4x128xi32, #tpu.memory_space<vmem>> -> memref<1x128xi32, #tpu.memory_space<vmem>>
        %dma_start3A_175 = tpu.memref_squeeze %dma_start3A_174 : memref<1x128xi32, #tpu.memory_space<vmem>> -> memref<128xi32, #tpu.memory_space<vmem>>
        %dma_start3A_176 = tpu.memref_slice %arg2[%dma_start3A_171, %mul3A_170] : memref<2x320000xi32, #tpu.memory_space<hbm>> -> memref<1x128xi32, #tpu.memory_space<hbm>>
        %dma_start3A_177 = tpu.memref_squeeze %dma_start3A_176 : memref<1x128xi32, #tpu.memory_space<hbm>> -> memref<128xi32, #tpu.memory_space<hbm>>
        %dma_start3A_178 = arith.constant 0 : i32
        %dma_start3A_179 = tpu.memref_slice %arg5[%dma_start3A_172, %dma_start3A_178] : memref<4x128xi32, #tpu.memory_space<vmem>> -> memref<1x128xi32, #tpu.memory_space<vmem>>
        %dma_start3A_180 = tpu.memref_squeeze %dma_start3A_179 : memref<1x128xi32, #tpu.memory_space<vmem>> -> memref<128xi32, #tpu.memory_space<vmem>>
        %dma_start3A_181 = tpu.memref_slice %arg2[%dma_start3A_171, %mul3A_170] : memref<2x320000xi32, #tpu.memory_space<hbm>> -> memref<1x128xi32, #tpu.memory_space<hbm>>
        %dma_start3A_182 = tpu.memref_squeeze %dma_start3A_181 : memref<1x128xi32, #tpu.memory_space<hbm>> -> memref<128xi32, #tpu.memory_space<hbm>>
        tpu.enqueue_dma source(%dma_start3A_182 : memref<128xi32, #tpu.memory_space<hbm>>) target(%dma_start3A_180 : memref<128xi32, #tpu.memory_space<vmem>>) target_semaphore(%arg12 : memref<!tpu.dma_semaphore, #tpu.memory_space<semaphore_mem>>)
      } else {
      }
    }
    %scan3A_108 = arith.constant 20 : i32
    %barrier3A_109 = arith.constant 0 : index
    tpu.barrier barrier_id(%barrier3A_109)
    %mul3A_110 = arith.constant 640 : i32
    %mul3A_111 = arith.muli %arg1, %mul3A_110 : i32
    %mul3A_112 = arith.constant 640 : i32
    %mul3A_113 = arith.muli %arg1, %mul3A_112 : i32
    "tpu.region"() ({
      %run_scoped3A = tpu.sem_alloc : memref<!tpu.dma_semaphore, #tpu.memory_space<semaphore_mem>>
      %dma_start3A_114 = arith.constant 0 : i32
      %dma_start3A_115 = arith.constant 0 : i32
      %dma_start3A_116 = tpu.memref_slice %arg4[%arg0, %dma_start3A_114, %dma_start3A_115] : memref<2x10240x16xf32, #tpu.memory_space<hbm>> -> memref<1x10240x16xf32, #tpu.memory_space<hbm>>
      %dma_start3A_117 = tpu.memref_squeeze %dma_start3A_116 : memref<1x10240x16xf32, #tpu.memory_space<hbm>> -> memref<10240x16xf32, #tpu.memory_space<hbm>>
      %dma_start3A_118 = arith.constant 0 : i32
      %dma_start3A_119 = tpu.memref_slice %dma_start3A_117[%mul3A_113, %dma_start3A_118] : memref<10240x16xf32, #tpu.memory_space<hbm>> -> memref<640x16xf32, #tpu.memory_space<hbm>>
      %dma_start3A_120 = arith.constant 0 : i32
      %dma_start3A_121 = tpu.memref_slice %arg7[%mul3A_111, %dma_start3A_120] : memref<10240x16xf32, #tpu.memory_space<vmem_shared>> -> memref<640x16xf32, #tpu.memory_space<vmem_shared>>
      tpu.enqueue_dma source(%dma_start3A_121 : memref<640x16xf32, #tpu.memory_space<vmem_shared>>) target(%dma_start3A_119 : memref<640x16xf32, #tpu.memory_space<hbm>>) target_semaphore(%run_scoped3A : memref<!tpu.dma_semaphore, #tpu.memory_space<semaphore_mem>>)
      %dma_wait3A_122 = arith.constant 0 : i32
      %dma_wait3A_123 = arith.constant 0 : i32
      %dma_wait3A_124 = tpu.memref_slice %arg4[%arg0, %dma_wait3A_122, %dma_wait3A_123] : memref<2x10240x16xf32, #tpu.memory_space<hbm>> -> memref<1x10240x16xf32, #tpu.memory_space<hbm>>
      %dma_wait3A_125 = tpu.memref_squeeze %dma_wait3A_124 : memref<1x10240x16xf32, #tpu.memory_space<hbm>> -> memref<10240x16xf32, #tpu.memory_space<hbm>>
      %dma_wait3A_126 = arith.constant 0 : i32
      %dma_wait3A_127 = tpu.memref_slice %dma_wait3A_125[%mul3A_113, %dma_wait3A_126] : memref<10240x16xf32, #tpu.memory_space<hbm>> -> memref<640x16xf32, #tpu.memory_space<hbm>>
      %dma_wait3A_128 = arith.constant 0 : i32
      %dma_wait3A_129 = tpu.memref_slice %arg7[%mul3A_111, %dma_wait3A_128] : memref<10240x16xf32, #tpu.memory_space<vmem_shared>> -> memref<640x16xf32, #tpu.memory_space<vmem_shared>>
      tpu.wait_dma2 semaphore(%run_scoped3A : memref<!tpu.dma_semaphore, #tpu.memory_space<semaphore_mem>>) src(%dma_wait3A_129 : memref<640x16xf32, #tpu.memory_space<vmem_shared>>) dst(%dma_wait3A_127 : memref<640x16xf32, #tpu.memory_space<hbm>>)
      tpu.yield
    }) : () -> ()
    return
  }
}

</mosaic_0001>

<sc_bundles>
// kernel: _hist_sc.3.cloned.1.call-start
scs
__scs_entry_jumppad:
0x0: {  	(pc) =	sbr.rel $0x88, $3  }
0x1: {  	(tag) =	ssettag $0x0;
	lr =	simm.s32 $0x1  }
0x2: {  	[smem:$0x3F9F] =	sst lr;
	_ =	strace $0xD0000000  }
0x3: {  	_ = 	snop  }
0x4: {  	_ = 	snop  }
0x5: {  	_ = 	snop  }
0x6: {  	_ = 	snop  }
0x7: {  	_ = 	snop  }
__scs_overlays_trampoline_lowered:
0x8: {  	[smem:$0x3FAE] =	sst s0  }
0x9: {  	[smem:$0x3FAF] =	sst s1  }
0xa: {  	[smem:$0x3FB0] =	sst s2  }
0xb: {  	[smem:$0x3FB1] =	sst s3  }
0xc: {  	[smem:$0x3FB2] =	sst s4  }
0xd: {  	[smem:$0x3FB3] =	sst s5  }
0xe: {  	[smem:$0x3FB4] =	sst s6  }
0xf: {  	[smem:$0x3FB5] =	sst s7  }
0x10: {  	[smem:$0x3FB6] =	sst s8  }
0x11: {  	[smem:$0x3FB7] =	sst s9;
	s0 =	simm.s32 @!p0 $0x0  }
0x12: {  	s1 =	sld [smem:$0x3F9D];
	s0 =	simm.s32 @p0 $0x1  }
0x13: {  	[smem:$0x3FB8] =	sst s0;
	s0 =	simm.s32 @!p1 $0x0  }
0x14: {  	s2 =	sld [smem:$0x3F9C];
	s0 =	simm.s32 @p1 $0x1  }
0x15: {  	[smem:$0x3FB9] =	sst s0;
	s0 =	simm.s32 @!p2 $0x0  }
0x16: {  	s3 =	sld [smem:$0x3FDB];
	s0 =	simm.s32 @p2 $0x1  }
0x17: {  	s4 =	simm.s32 $0x1BF5;
	[smem:$0x3FBB] =	sst s0  }
0x18: {  	s0 =	sld [smem:$0x3F9E];
	_ =	swait.ge [sflag:s4], $0x0  }
0x19: {  	s7 =	sld [smem:$0x3F9F]  }
0x1a: {  	s8 =	sadd.s32 $0xFFFFE003, lr  }
0x1b: {  	s9 =	sadd.s32 $0xFFFFFEF7, lr;
	s5 =	simm.s32 $0xFFFFFFFF;
	p2 =	slt.u32 s8, $0xFFFFF086  }
0x1c: {  	p1 =	slt.u32 s9, $0xF7A;
	s5 =	simm.s32 @!p2 $0x0  }
0x1d: {  	s5 =	simm.s32 @p1 $0x1;
	p0 =	seq.s32 s7, s2  }
0x1e: {  	s7 =	smul.u32 @!p0 $0xF7A, s2;
	p2 =	seq.s32 @!p0 s5, $0x0  }
0x1f: {  	s9 =	smul.u32 $0xF7A, s1;
	s8 =	simm.s32 @!p0 $0x1BF5;
	p2 =	por !p2, p0  }
0x20: {  	[sflag:s8] =	ssyncset.s32 @!p0 $0xFFFFF086;
	s6 =	sadd.s32 @!p0 s3, s7;
	s7 =	simm.s32 @!p0 $0x108  }
0x21: {  	s3 =	sadd.s32 s3, s9;
	s6 =	sadd.s32 @!p0 $0x88, s6;
	s7 =	simm.s32 @p2 $0x1082  }
0x22: {  	[simem:s7], [sflag:s8] =	dma.local @!p0 [hbm:s6], $0xF7A  }
0x23: {  	s9 =	sor.u32 $0xD0000000, s2;
	s6 =	simm.s32 $0x108;
	_ =	swait.ge @!p0 [sflag:s8], $0x0  }
0x24: {  	s3 =	sadd.s32 $0x88, s3;
	s6 =	simm.s32 @!p1 $0x1082;
	[sflag:s4] =	ssyncset.s32 $0xFFFFF086  }
0x25: {  	[simem:s6], [sflag:s4] =	dma.local [hbm:s3], $0xF7A  }
0x26: {  	[smem:$0x3F9F] =	sst s1;
	(tag) =	ssettag s2;
	_ =	strace s9  }
0x27: {  	s1 =	sld [smem:$0x3FAF]  }
0x28: {  	s2 =	sld [smem:$0x3FB0]  }
0x29: {  	s4 =	sld [smem:$0x3FB2]  }
0x2a: {  	p0 =	seq.s32 s5, $0x0;
	s5 =	sld [smem:$0x3FB3]  }
0x2b: {  	s6 =	sld [smem:$0x3FB4]  }
0x2c: {  	s7 =	sld [smem:$0x3FB5]  }
0x2d: {  	s3 =	simm.s32 $0x108;
	s8 =	sld [smem:$0x3FB6]  }
0x2e: {  	s3 =	simm.s32 @!p0 $0x1082;
	s9 =	sld [smem:$0x3FB7]  }
0x2f: {  	lr =	sadd.s32 s0, s3;
	s0 =	sld [smem:$0x3FAE]  }
0x30: {  	s3 =	sld [smem:$0x3FB1]  }
0x31: {  	[smem:$0x3FBA] =	sst s10  }
0x32: {  	s10 =	sld [smem:$0x3FB8];
	_ =	sdelay $0x3  }
0x33: {  	p0 =	seq.s32 s10, $0x1;
	s10 =	sld [smem:$0x3FBA];
	_ =	sdelay $0x3  }
0x34: {  	[smem:$0x3FBA] =	sst s10  }
0x35: {  	s10 =	sld [smem:$0x3FB9];
	_ =	sdelay $0x3  }
0x36: {  	p1 =	seq.s32 s10, $0x1;
	s10 =	sld [smem:$0x3FBA];
	_ =	sdelay $0x3  }
0x37: {  	[smem:$0x3FBA] =	sst s10  }
0x38: {  	s10 =	sld [smem:$0x3FBB]  }
0x39: {  	_ = 	snop;
	(pc) =	sbr.ind lr, $3  }
0x3a: {  	_ = 	snop  }
0x3b: {  	_ = 	snop  }
0x3c: {  	p2 =	seq.s32 s10, $0x1;
	s10 =	sld [smem:$0x3FBA]  }
0x3d: {  	_ =	shalt  }
0x3e: {  	_ =	shalt  }
0x3f: {  	_ =	shalt  }
0x40: {  	_ =	shalt  }
0x41: {  	_ =	shalt  }
0x42: {  	_ =	shalt  }
0x43: {  	_ =	shalt  }
0x44: {  	_ =	shalt  }
0x45: {  	_ =	shalt  }
0x46: {  	_ =	shalt  }
0x47: {  	_ =	shalt  }
0x48: {  	_ =	shalt  }
0x49: {  	_ =	shalt  }
0x4a: {  	_ =	shalt  }
0x4b: {  	_ =	shalt  }
0x4c: {  	_ =	shalt  }
0x4d: {  	_ =	shalt  }
0x4e: {  	_ =	shalt  }
0x4f: {  	_ =	shalt  }
0x50: {  	_ =	shalt  }
0x51: {  	_ =	shalt  }
0x52: {  	_ =	shalt  }
0x53: {  	_ =	shalt  }
0x54: {  	_ =	shalt  }
0x55: {  	_ =	shalt  }
0x56: {  	_ =	shalt  }
0x57: {  	_ =	shalt  }
0x58: {  	_ =	shalt  }
0x59: {  	_ =	shalt  }
0x5a: {  	_ =	shalt  }
0x5b: {  	_ =	shalt  }
0x5c: {  	_ =	shalt  }
0x5d: {  	_ =	shalt  }
0x5e: {  	_ =	shalt  }
0x5f: {  	_ =	shalt  }
0x60: {  	_ =	shalt  }
0x61: {  	_ =	shalt  }
0x62: {  	_ =	shalt  }
0x63: {  	_ =	shalt  }
0x64: {  	_ =	shalt  }
0x65: {  	_ =	shalt  }
0x66: {  	_ =	shalt  }
0x67: {  	_ =	shalt  }
0x68: {  	_ =	shalt  }
0x69: {  	_ =	shalt  }
0x6a: {  	_ =	shalt  }
0x6b: {  	_ =	shalt  }
0x6c: {  	_ =	shalt  }
0x6d: {  	_ =	shalt  }
0x6e: {  	_ =	shalt  }
0x6f: {  	_ =	shalt  }
0x70: {  	_ =	shalt  }
0x71: {  	_ =	shalt  }
0x72: {  	_ =	shalt  }
0x73: {  	_ =	shalt  }
0x74: {  	_ =	shalt  }
0x75: {  	_ =	shalt  }
0x76: {  	_ =	shalt  }
0x77: {  	_ =	shalt  }
0x78: {  	_ =	shalt  }
0x79: {  	_ =	shalt  }
0x7a: {  	_ =	shalt  }
0x7b: {  	_ =	shalt  }
0x7c: {  	_ =	shalt  }
0x7d: {  	_ =	shalt  }
0x7e: {  	_ =	shalt  }
0x7f: {  	_ =	shalt  }
0x80: {  	_ =	shalt  }
0x81: {  	_ =	shalt  }
0x82: {  	_ =	shalt  }
0x83: {  	_ =	shalt  }
0x84: {  	_ =	shalt  }
0x85: {  	_ =	shalt  }
0x86: {  	_ =	shalt  }
0x87: {  	_ =	shalt  }
.Lfunc_end0:
.L_simem_size_0:
called_computation_lowered:
.L_overlay_start_0:
0x88: {  	s2 =	sld [smem:$0x3FD9]  }
0x89: {  	s3 =	sld [smem:$0x3FFE];
	_ =	sdelay $0x1  }
0x8a: {  	s1 =	srdreg.scid  }
0x8b: {  	s0 =	sand.u32 $0x1, s1  }
0x8c: {  	s17 =	sshll.u32 s0, $0xA;
	s2 =	sadd.s32 s3, s2  }
0x8d: {  	s2 =	sadd.s32 s2, s17  }
0x8e: {  	[smem:$0x3FC6] =	sst s2  }
0x8f: {  	_ = 	snop  }
0x90: {  	s2 =	sld [smem:$0x3FD0];
	(tm) =	ssettm $0x1  }
0x91: {  	s18 =	sld [smem:$0x3FFB];
	_ =	sdelay $0x3  }
0x92: {  	_ =	strace s18  }
0x93: {  	s3 =	sld [smem:$0x3FFC];
	_ =	sdelay $0x3  }
0x94: {  	_ =	strace s3  }
0x95: {  	s3 =	sld [smem:$0x3FFD];
	_ =	sdelay $0x3  }
0x96: {  	_ =	strace s3  }
0x97: {  	_ =	strace $0x8FFFFFFF  }
0x98: {  	s19 =	sld [smem:$0x3FDB];
	_ =	sdelay $0x1  }
0x99: {  	s4 =	simm.s32 $_scs_section_size  }
0x9a: {  	s5 =	simm.s32 $_size__tile_overlayer_lowered;
	s6 =	simm.s32 $_tile_overlayer_lowered  }
0x9b: {  	s22 =	simm.s32 $0x1BFF;
	s21 =	sshll.u32 s6, $0x1;
	s3 =	sadd.s32 s4, s19  }
0x9c: {  	s7 =	simm.s32 $0x0;
	s20 =	sshll.u32 s5, $0x1;
	s5 =	sadd.s32 s21, s3  }
0x9d: {  	[timem:s7], [sflag:s22] =	dma.local [hbm:s5], s20  }
0x9e: {  	_ =	swait.ge [sflag:s22], s20  }
0x9f: {  	s4 =	ssub.s32 $0x0, s20;
	[sflag:s22] =	ssyncset.done $0x0  }
0xa0: {  	[sflag:s22] =	ssyncadd.s32 s4;
	_ =	sdelay $0x1  }
0xa1: {  	s23 =	simm.s32 $0x1B8B  }
0xa2: {  	_ =	swait.ge [sflag:s23], $0x1  }
0xa3: {  	[sflag:s23] =	ssyncset.done $0x0  }
0xa4: {  	s25 =	simm.s32 $0x1B8E;
	s24 =	sld [smem:$0x3FFE];
	[sflag:s23] =	ssyncadd.s32 $0xFFFFFFFF  }
0xa5: {  	s26 =	simm.s32 $execute0_lowered;
	[smem:$0x3FD2] =	sst s25  }
0xa6: {  	s5 =	sshll.u32 s26, $0x1;
	_ =	strace $0x80000046;
	[dreg:$0x1] =	wrdreg $0xFFFFFFFF  }
0xa7: {  	s28 =	simm.s32 $_size_execute0_lowered;
	s3 =	sadd.s32 s3, s5;
	[dreg:$0x0] =	wrdreg $0x0  }
0xa8: {  	s5 =	sshll.u32 s28, $0x1;
	[dreg:$0x2] =	wrdreg s3  }
0xa9: {  	[dreg:$0x3] =	wrdreg s5  }
0xaa: {  	[dreg:$0x4] =	wrdreg $0xC0  }
0xab: {  	_ =	task [dreg:s7], $0x5FFFF  }
0xac: {  	[dreg:$0x1] =	wrdreg $0xFFFFFFFF  }
0xad: {  	[dreg:$0x0] =	wrdreg $0x60  }
0xae: {  	[dreg:$0x2] =	wrdreg s24  }
0xaf: {  	[dreg:$0x3] =	wrdreg s2  }
0xb0: {  	[dreg:$0x4] =	wrdreg $0xA000  }
0xb1: {  	[dreg:$0x5] =	wrdreg $0x9  }
0xb2: {  	_ =	task.clear_ibuf [dreg:s7], $0x6FFFF;
	_ =	strace $0x90000046  }
0xb3: {  	s29 =	simm.s32 $0x9;
	_ =	strace $0x80000048  }
0xb4: {  	_ =	swait.ge [sflag:s29], $0x1  }
0xb5: {  	[sflag:s29] =	ssyncadd.s32 $0xFFFFFFFF  }
0xb6: {  	_ =	strace $0x90000048  }
0xb7: {  	_ =	sfence  }
0xb8: {  	s30 =	sld [smem:$0x0];
	_ =	sdelay $0x2  }
0xb9: {  	s31 =	sshll.u32 s1, $0xD;
	s1 =	sshrl.u32 s1, $0x2  }
0xba: {  	s3 =	sand.u32 $0x4000, s31;
	s1 =	sadd.s32 s1, s30  }
0xbb: {  	s0 =	sor.u32 s3, s0;
	s1 =	sshll.u32 s1, $0x11  }
0xbc: {  	s0 =	sor.u32 s1, s0  }
0xbd: {  	s0 =	sadd.s32 $0x8F2B, s0  }
0xbe: {  	[sflag:s0] =	ssyncadd.remote.s32 $0x1  }
0xbf: {  	_ =	sfence.sel $0xFFFF  }
0xc0: {  	[dreg:$0x0] =	wrdreg $0xFFFFFFFF;
	(pc) =	sbr.abs _section_cstart, $3  }
0xc1: {  	[dreg:$0x1] =	wrdreg $0xFFFFFFFF  }
0xc2: {  	_ =	task.clear_ibuf [dreg:s7], $0x2FFFF;
	_ =	strace $0x9FFFFFFF  }
0xc3: {  	(tm) =	ssettm $0x7FFFFFFF  }
tec
execute0_lowered:
.L_overlay_start_1:
0x0: {  	(tag) =	ssettag $0x1  }
0x1: {  	s4 =	rddreg [dreg:$0x0]  }
0x2: {  	s12 =	rddreg [dreg:$0x1]  }
0x3: {  	s2 =	rddreg [dreg:$0x2];
	s3 =	simm.s32 $0x0  }
0x4: {  	s0 =	stileid.u32;
	s5 =	srdreg.scid;
	s20 =	simm.s32 $0x200  }
0x5: {  	s21 =	simm.s32 $0x6;
	s22 =	simm.s32 $0x3;
	[smem:$0x7FF] =	sst s3  }
0x6: {  	s9 =	smul.u32 $0x2800, s0;
	s13 =	sand.u32 $0x1, s5;
	s29 =	sshll.u32 s0, $0x1  }
0x7: {  	s14 =	sadd.s32 $0x600, s4;
	s19 =	sshll.u32 s0, $0x5;
	_ =	strace $0x80000047  }
0x8: {  	s5 =	sor.u32 s13, s29;
	s30 =	ssub.s32 $0x2, s13;
	s18 =	smul.u32 $0x5000, s13  }
0x9: {  	s13 =	sshll.u32 s13, $0x4;
	s23 =	sshrl.u32 s9, $0x3;
	s6 =	sshll.u32 s5, $0x4  }
0xa: {  	s7 =	sshrl.u32 s30, $0x1;
	s5 =	ssub.s32 $0x9E3, s5;
	s17 =	sadd.s32 s9, s2  }
0xb: {  	s9 =	sshll.u32 s0, $0x6;
	s10 =	sadd.s32 s23, s4;
	s8 =	sadd.s32 s14, s6  }
0xc: {  	s15 =	ssub.s32 s30, s7;
	s4 =	sshrl.u32 s5, $0x5;
	s11 =	sor.u32 $0x1C01, s9  }
0xd: {  	s14 =	sadd.s32 s19, s14;
	s24 =	sadd.s32 s12, s18;
	s17 =	sshrl.u32 s17, $0x3  }
0xe: {  	s18 =	simm.s32 $0x1;
	s19 =	simm.s32 $0x2;
	s5 =	sadd.s32 $0x9C40, s8  }
0xf: {  	s6 =	sadd.s32 $0x9E40, s8;
	s7 =	sadd.s32 $0xA040, s8;
	s8 =	sadd.s32 $0xA240, s8  }
0x10: {  	s16 =	sadd.s32 $0xFFFFFFFE, s4;
	s10 =	sadd.s32 $0x14000, s10;
	s31 =	sadd.s32 $0xFFFFFFFD, s4  }
0x11: {  	s12 =	smax.u32 s15, $0x1;
	s13 =	sadd.s32 s13, s14;
	s14 =	simm.s32 $0x80  }
0x12: {  	s23 =	sadd.s32 s23, s24;
	s24 =	simm.s32 $0x0;
	[dreg:$0x4] =	wrdreg s16  }
0x13: {  	v0 =	vimm.f32 $1.000000000e+00;
	[dreg:$0x5] =	wrdreg s31;
	s13 =	sadd.s32 $0xA440, s13;
	s16 =	simm.s32 $0x180  }
.LBB2_1:
0x14: {  	[tilespmem:s3], [sflag:$0x2] =	stream.linear.gather [hbm4b:s5+s3], $0x80, $0x38;
	[tilespmem:$0x3200] =	vst v63  }
0x15: {  	_ = 	snop  }
0x16: {  	[tilespmem:s14], [sflag:$0x3] =	stream.linear.gather [hbm4b:s6+s3], $0x80, $0x38;
	[tilespmem:$0x3200] =	vst v63  }
0x17: {  	s0 =	simm.s32 $0x100  }
0x18: {  	[tilespmem:s0], [sflag:$0x4] =	stream.linear.gather [hbm4b:s7+s3], $0x80, $0x38;
	[tilespmem:$0x3200] =	vst v63  }
0x19: {  	s25 =	simm.s32 $0x40;
	s26 =	simm.s32 $0x0  }
0x1a: {  	[tilespmem:s16], [sflag:$0x5] =	stream.linear.gather [hbm4b:s8+s3], $0x80, $0x38;
	[tilespmem:$0x3200] =	vst v63  }
.LBB2_2:
0x1b: {  	p0 =	sne.s32 s25, $0x1FC0;
	[tilespmem:s26+$0x200] =	vst v0;
	s26 =	smov.u32 s25;
	s25 =	sadd.s32 $0x40, s25  }
.Ltmp0:
0x1c: {  	(pc) =	sbr.rel @p0 .LBB2_2-.Ltmp0, $2  }
0x1d: {  	_ =	sdelay $0x2  }
0x1e: {  	s26 =	sshra.s32 s26, $0x2  }
0x1f: {  	[tilespmem:s26+$0x200] =	vst v0  }
0x20: {  	[spmem:s17], [sflag:s11] =	dma.local [hbm:s10], $0x500  }
0x21: {  	_ =	swait.ge [sflag:s18], $0x500  }
0x22: {  	[sflag:s18] =	ssyncset.done $0x0  }
0x23: {  	[sflag:s18] =	ssyncadd.s32 $0xFFFFFB00  }
0x24: {  	[bflag:$0x0] =	sbarrier.arrive $0xFFFF  }
0x25: {  	_ =	swait.ge [sflag:s19], $0x80  }
0x26: {  	[sflag:s19] =	ssyncset.done $0x0  }
0x27: {  	[sflag:s19] =	ssyncadd.s32 $0xFFFFFF80  }
0x28: {  	[spmem:s2] =	stream.indirect.scatter.add.f32 [tilespmem:s20], [sflag:$0x6], $0x10, s3, s14, $0xb8;
	[tilespmem:$0x3200] =	vst v63  }
0x29: {  	_ =	swait.ge [sflag:s21], $0x800  }
0x2a: {  	p0 =	sle.u32 s4, $0x4;
	[sflag:s21] =	ssyncset.done $0x0  }
0x2b: {  	s25 =	simm.s32 @!p0 $0x0;
	[sflag:s21] =	ssyncadd.s32 $0xFFFFF800  }
0x2c: {  	[tilespmem:s25], [sflag:$0x2] =	stream.linear.gather @!p0 [hbm4b:s13+s25], $0x80, $0x38;
	[tilespmem:$0x3200] =	vst v63  }
0x2d: {  	_ =	swait.ge [sflag:s22], $0x80  }
0x2e: {  	[sflag:s22] =	ssyncset.done $0x0  }
0x2f: {  	[sflag:s22] =	ssyncadd.s32 $0xFFFFFF80  }
0x30: {  	[spmem:s2] =	stream.indirect.scatter.add.f32 [tilespmem:s20], [sflag:$0x6], $0x10, s14, s14, $0xb8;
	[tilespmem:$0x3200] =	vst v63  }
0x31: {  	p0 =	sle.u32 s4, $0x5;
	_ =	swait.ge [sflag:s21], $0x800  }
0x32: {  	s25 =	simm.s32 @!p0 $0x80;
	s28 =	sadd.s32 @!p0 $0x200, s13;
	[sflag:s21] =	ssyncset.done $0x0  }
0x33: {  	s29 =	simm.s32 @!p0 $0x0;
	s31 =	rddreg [dreg:$0x4];
	[sflag:s21] =	ssyncadd.s32 $0xFFFFF800  }
0x34: {  	[tilespmem:s25], [sflag:$0x3] =	stream.linear.gather @!p0 [hbm4b:s28+s29], $0x80, $0x38;
	[tilespmem:$0x3200] =	vst v63  }
0x35: {  	p0 =	sle.u32 s31, $0x0  }
0x36: {  	s25 =	simm.s32 @!p0 $0x4  }
0x37: {  	_ =	swait.ge @!p0 [sflag:s25], $0x80  }
0x38: {  	s26 =	simm.s32 @!p0 $0x6;
	s28 =	simm.s32 @!p0 $0x200;
	[sflag:s25] =	ssyncset.done @!p0 $0x0  }
0x39: {  	s29 =	simm.s32 @!p0 $0x100;
	[sflag:s25] =	ssyncadd.s32 @!p0 $0xFFFFFF80;
	s25 =	simm.s32 @!p0 $0x80  }
0x3a: {  	[spmem:s2] =	stream.indirect.scatter.add.f32 @!p0 [tilespmem:s28], [sflag:$0x6], $0x10, s29, s25, $0xb8;
	[tilespmem:$0x3200] =	vst v63  }
0x3b: {  	p1 =	sle.u32 s4, $0x6;
	_ =	swait.ge @!p0 [sflag:s26], $0x800  }
0x3c: {  	s30 =	simm.s32 @!p1 $0x100;
	s25 =	sadd.s32 @!p1 $0x400, s13;
	[sflag:s26] =	ssyncset.done @!p0 $0x0  }
0x3d: {  	s29 =	simm.s32 @!p1 $0x0;
	s28 =	rddreg [dreg:$0x5];
	[sflag:s26] =	ssyncadd.s32 @!p0 $0xFFFFF800  }
0x3e: {  	[tilespmem:s30], [sflag:$0x4] =	stream.linear.gather @!p1 [hbm4b:s25+s29], $0x80, $0x38;
	[tilespmem:$0x3200] =	vst v63  }
0x3f: {  	p1 =	sle.u32 s28, $0x0  }
0x40: {  	s25 =	simm.s32 @!p1 $0x5  }
0x41: {  	s29 =	sadd.s32 $0x800, s13;
	_ =	swait.ge @!p1 [sflag:s25], $0x80  }
0x42: {  	s26 =	simm.s32 @!p1 $0x200;
	s28 =	simm.s32 @!p1 $0x180;
	[sflag:s25] =	ssyncset.done @!p1 $0x0  }
0x43: {  	s30 =	simm.s32 @!p1 $0x6;
	[sflag:s25] =	ssyncadd.s32 @!p1 $0xFFFFFF80;
	s25 =	simm.s32 @!p1 $0x80  }
0x44: {  	[spmem:s2] =	stream.indirect.scatter.add.f32 @!p1 [tilespmem:s26], [sflag:$0x6], $0x10, s28, s25, $0xb8;
	[tilespmem:$0x3200] =	vst v63  }
0x45: {  	s25 =	simm.s32 $0x0;
	s26 =	simm.s32 $0x4;
	s28 =	smov.u32 s13  }
.LBB2_4:
0x46: {  	_ =	swait.ge @!p1 [sflag:s30], $0x800  }
0x47: {  	s31 =	sadd.s32 $0x7, s25;
	[sflag:s30] =	ssyncset.done @!p1 $0x0  }
0x48: {  	p2 =	sge.u32 s31, s4;
	[sflag:s30] =	ssyncadd.s32 @!p1 $0xFFFFF800  }
0x49: {  	s30 =	sadd.s32 @!p2 $0x600, s28;
	s31 =	simm.s32 @!p2 $0x0;
	s0 =	simm.s32 @!p2 $0x180  }
0x4a: {  	[tilespmem:s0], [sflag:$0x5] =	stream.linear.gather @!p2 [hbm4b:s30+s31], $0x80, $0x38;
	[tilespmem:$0x3200] =	vst v63  }
0x4b: {  	_ =	swait.ge [sflag:s19], $0x80  }
0x4c: {  	[sflag:s19] =	ssyncset.done $0x0  }
0x4d: {  	[sflag:s19] =	ssyncadd.s32 $0xFFFFFF80  }
0x4e: {  	[spmem:s2] =	stream.indirect.scatter.add.f32 [tilespmem:s20], [sflag:$0x6], $0x10, s3, s14, $0xb8;
	[tilespmem:$0x3200] =	vst v63  }
0x4f: {  	s25 =	smov.u32 s26;
	s26 =	sadd.s32 $0x4, s26;
	_ =	swait.ge [sflag:s21], $0x800  }
0x50: {  	p1 =	sge.u32 s26, s4;
	[sflag:s21] =	ssyncset.done $0x0  }
0x51: {  	s0 =	simm.s32 @!p1 $0x0;
	[sflag:s21] =	ssyncadd.s32 $0xFFFFF800  }
0x52: {  	[tilespmem:s0], [sflag:$0x2] =	stream.linear.gather @!p1 [hbm4b:s29+s0], $0x80, $0x38;
	[tilespmem:$0x3200] =	vst v63  }
0x53: {  	_ =	swait.ge [sflag:s22], $0x80  }
0x54: {  	[sflag:s22] =	ssyncset.done $0x0  }
0x55: {  	s31 =	sadd.s32 $0x5, s25;
	[sflag:s22] =	ssyncadd.s32 $0xFFFFFF80  }
0x56: {  	[spmem:s2] =	stream.indirect.scatter.add.f32 [tilespmem:s20], [sflag:$0x6], $0x10, s14, s14, $0xb8;
	[tilespmem:$0x3200] =	vst v63  }
0x57: {  	p1 =	sge.u32 s31, s4;
	_ =	swait.ge [sflag:s21], $0x800  }
0x58: {  	s0 =	simm.s32 @!p1 $0x80;
	s31 =	sadd.s32 @!p1 $0x200, s29;
	[sflag:s21] =	ssyncset.done $0x0  }
0x59: {  	s1 =	simm.s32 @!p1 $0x0;
	s30 =	rddreg [dreg:$0x4];
	[sflag:s21] =	ssyncadd.s32 $0xFFFFF800  }
0x5a: {  	[tilespmem:s0], [sflag:$0x3] =	stream.linear.gather @!p1 [hbm4b:s31+s1], $0x80, $0x38;
	[tilespmem:$0x3200] =	vst v63  }
0x5b: {  	p1 =	sge.u32 s25, s30  }
0x5c: {  	s0 =	simm.s32 @!p1 $0x4  }
0x5d: {  	s30 =	sadd.s32 $0x6, s25;
	s1 =	simm.s32 @!p1 $0x6;
	_ =	swait.ge @!p1 [sflag:s0], $0x80  }
0x5e: {  	s31 =	simm.s32 @!p1 $0x200;
	p2 =	sge.u32 s30, s4;
	[sflag:s0] =	ssyncset.done @!p1 $0x0  }
0x5f: {  	s30 =	simm.s32 @!p1 $0x100;
	[sflag:s0] =	ssyncadd.s32 @!p1 $0xFFFFFF80;
	s0 =	simm.s32 @!p1 $0x80  }
0x60: {  	[spmem:s2] =	stream.indirect.scatter.add.f32 @!p1 [tilespmem:s31], [sflag:$0x6], $0x10, s30, s0, $0xb8;
	[tilespmem:$0x3200] =	vst v63  }
0x61: {  	p0 =	sne.s32 s26, $0x50;
	s0 =	sadd.s32 @!p2 $0x400, s29;
	_ =	swait.ge @!p1 [sflag:s1], $0x800  }
0x62: {  	s30 =	simm.s32 @!p2 $0x0;
	[sflag:s1] =	ssyncset.done @!p1 $0x0;
	s15 =	rddreg [dreg:$0x5]  }
0x63: {  	s31 =	simm.s32 @!p2 $0x100;
	[sflag:s1] =	ssyncadd.s32 @!p1 $0xFFFFF800;
	p1 =	sge.u32 s25, s15  }
0x64: {  	[tilespmem:s31], [sflag:$0x4] =	stream.linear.gather @!p2 [hbm4b:s0+s30], $0x80, $0x38;
	[tilespmem:$0x3200] =	vst v63  }
.Ltmp1:
0x65: {  	s0 =	simm.s32 @!p1 $0x5;
	(pc) =	sbr.rel @p0 .LBB2_4-.Ltmp1, $4  }
0x66: {  	s28 =	smov.u32 s29;
	s29 =	sadd.s32 $0x800, s29;
	_ =	swait.ge @!p1 [sflag:s0], $0x80  }
0x67: {  	s1 =	simm.s32 @!p1 $0x200;
	s30 =	simm.s32 @!p1 $0x6;
	[sflag:s0] =	ssyncset.done @!p1 $0x0  }
0x68: {  	s15 =	simm.s32 @!p1 $0x180;
	[sflag:s0] =	ssyncadd.s32 @!p1 $0xFFFFFF80;
	s0 =	simm.s32 @!p1 $0x80  }
0x69: {  	[spmem:s2] =	stream.indirect.scatter.add.f32 @!p1 [tilespmem:s1], [sflag:$0x6], $0x10, s15, s0, $0xb8;
	[tilespmem:$0x3200] =	vst v63  }
0x6a: {  	_ =	swait.ge @!p1 [sflag:s30], $0x800  }
0x6b: {  	s0 =	sadd.s32 $0x7, s25;
	[sflag:s30] =	ssyncset.done @!p1 $0x0  }
0x6c: {  	s24 =	sadd.s32 $0x1, s24;
	p0 =	sge.u32 s0, s4;
	[sflag:s30] =	ssyncadd.s32 @!p1 $0xFFFFF800  }
0x6d: {  	s0 =	sadd.s32 @!p0 $0x600, s28;
	s1 =	simm.s32 @!p0 $0x0;
	s15 =	simm.s32 @!p0 $0x180  }
0x6e: {  	[tilespmem:s15], [sflag:$0x5] =	stream.linear.gather @!p0 [hbm4b:s0+s1], $0x80, $0x38;
	[tilespmem:$0x3200] =	vst v63  }
0x6f: {  	p0 =	sne.s32 s24, s12  }
.Ltmp2:
0x70: {  	s31 =	sor.u32 $0x1C06, s9;
	[bflag:$0x0] =	sbarrier.arrive $0xFFFF;
	(pc) =	sbr.rel @p0 .LBB2_1-.Ltmp2, $4  }
0x71: {  	[hbm:s23], [sflag:s31] =	dma.local [spmem:s17], $0x500  }
0x72: {  	_ =	swait.ge [sflag:s21], $0x500  }
0x73: {  	[sflag:s21] =	ssyncset.done $0x0  }
0x74: {  	[sflag:s21] =	ssyncadd.s32 $0xFFFFFB00  }
0x75: {  	_ =	sfence.sel $0x180000  }
0x76: {  	[bflag:$0x0] =	sbarrier.arrive $0xFFFF  }
0x77: {  	_ =	strace $0x90000047  }
0x78: {  	s0 =	stileid.u32;
	[bflag:$0x2] =	sbarrier.arrive $0xFFFF  }
0x79: {  	p0 =	sne.s32 s0, $0x0;
	s0 =	rddreg [dreg:$0x3]  }
0x7a: {  	s0 =	sadd.s32 @!p0 $0x100000, s0  }
0x7b: {  	[sflag:s0] =	ssyncadd.tile.s32 @!p0 $0x1;
	_ =	shalt  }
.Lfunc_end2:
_tile_overlayer_lowered:
.L_overlay_start_2:
0x7c: {  	(tag) =	ssettag $0x2  }
0x7d: {  	s0 =	rddreg [dreg:$0x0];
	s2 =	stileid.u32  }
0x7e: {  	s1 =	rddreg [dreg:$0x1];
	p0 =	sne.s32 s2, $0x0  }
0x7f: {  	s3 =	rddreg [dreg:$0x2];
	[bflag:$0x3] =	sbarrier.arrive $0xFFFF;
	s2 =	simm.s32 @!p0 $0x1C06  }
0x80: {  	[timem:s3], [sflag:s2] =	dma.local @!p0 [hbm:s0], s1  }
0x81: {  	s0 =	simm.s32 @!p0 $0x6  }
0x82: {  	_ =	swait.ge @!p0 [sflag:s0], s1  }
0x83: {  	s1 =	ssub.s32 @!p0 $0x0, s1;
	[sflag:s0] =	ssyncset.done @!p0 $0x0  }
0x84: {  	[sflag:s0] =	ssyncadd.s32 @!p0 s1  }
0x85: {  	[bflag:$0x3] =	sbarrier.arrive $0xFFFF  }
0x86: {  	_ =	shalt  }

</sc_bundles>
